<compile_context>
chip_gen: v7x
topology: tpu7x:2x2x1
jax: 0.10.2.dev20260603
libtpu: 0.0.44.dev20260713+nightly
codegen_flags: <defaults>
</compile_context>

<pallas_src>
import functools

import jax
import jax.numpy as jnp
from jax import lax
from jax.experimental import pallas as pl
from jax.experimental.pallas import tpu as pltpu
from jax.experimental.pallas import tpu_sc as plsc

NUM_LOC = 1000000
EMBED_SIZE = 64
BATCH = 4096
HIST_LEN = 200

NC = 2
NS = 16
NW = NC * NS
ROWS_W = BATCH // NW
CA = 104
CB = HIST_LEN - CA
NSLOT = 4


def _body(tok_hbm, embed_hbm, out_hbm, idx_v, rows_v,
          g0, g1, g2, g3, s0, s1, s2, s3):
    wid = lax.axis_index("s") * NC + lax.axis_index("c")
    rbase = wid * ROWS_W
    gsems = (g0, g1, g2, g3)
    ssems = (s0, s1, s2, s3)

    pltpu.sync_copy(tok_hbm.at[pl.ds(rbase, ROWS_W)], idx_v)

    def gather_cps(r, slot, sem):
        return (
            pltpu.make_async_copy(
                embed_hbm.at[idx_v.at[r, pl.ds(0, CA)]],
                rows_v.at[slot, pl.ds(0, CA)], sem),
            pltpu.make_async_copy(
                embed_hbm.at[idx_v.at[r, pl.ds(CA, CB)]],
                rows_v.at[slot, pl.ds(CA, CB)], sem),
        )

    def scatter_cp(r, slot, sem):
        return pltpu.make_async_copy(
            rows_v.at[slot],
            out_hbm.at[pl.ds((rbase + r) * HIST_LEN, HIST_LEN),
                       pl.ds(0, EMBED_SIZE)], sem)

    def fire_gather(r, slot):
        for cp in gather_cps(r, slot, gsems[slot]):
            cp.start()

    def wait_gather(r, slot):
        for cp in gather_cps(r, slot, gsems[slot]):
            cp.wait()

    fire_gather(0, 0)
    fire_gather(1, 1)

    def step(t, _):
        for si in range(NSLOT):
            r = NSLOT * t + si
            wait_gather(r, si)
            scatter_cp(r, si, ssems[si]).start()
            q = (si + 2) % NSLOT

            @pl.when(r >= 2)
            def _():
                scatter_cp(r - 2, q, ssems[q]).wait()

            @pl.when(r + 2 < ROWS_W)
            def _():
                fire_gather(r + 2, q)
        return _

    lax.fori_loop(0, ROWS_W // NSLOT, step, None)

    scatter_cp(ROWS_W - 2, (ROWS_W - 2) % NSLOT,
               ssems[(ROWS_W - 2) % NSLOT]).wait()
    scatter_cp(ROWS_W - 1, (ROWS_W - 1) % NSLOT,
               ssems[(ROWS_W - 1) % NSLOT]).wait()


@jax.jit
def _embed_lookup(token, embed):
    mesh = plsc.VectorSubcoreMesh(core_axis_name="c", subcore_axis_name="s")
    run = functools.partial(
        pl.kernel,
        out_type=jax.ShapeDtypeStruct((BATCH * HIST_LEN, 128), jnp.float32),
        mesh=mesh,
        scratch_types=[
            pltpu.VMEM((ROWS_W, HIST_LEN), jnp.int32),
            pltpu.VMEM((NSLOT, HIST_LEN, EMBED_SIZE), jnp.float32),
            pltpu.SemaphoreType.DMA,
            pltpu.SemaphoreType.DMA,
            pltpu.SemaphoreType.DMA,
            pltpu.SemaphoreType.DMA,
            pltpu.SemaphoreType.DMA,
            pltpu.SemaphoreType.DMA,
            pltpu.SemaphoreType.DMA,
            pltpu.SemaphoreType.DMA,
        ],
        compiler_params=pltpu.CompilerParams(use_tc_tiling_on_sc=False),
    )(_body)
    return run(token, embed)


def kernel(token, embed):
    out = _embed_lookup(token.astype(jnp.int32), embed)
    return out[:, :EMBED_SIZE].reshape(BATCH, HIST_LEN, EMBED_SIZE)

# --- scband reference (transcript-rebuilt; emitter-appended) ---
"""Pipeline reference for scband-static-embed-38637525795174 (READ-ONLY COPY).

The authoritative reference and input builder live on the scoring server;
editing this copy changes nothing except your own understanding.
"""

import jax, jax.numpy as jnp
import numpy as np

NUM_LOC = 1000000
EMBED_SIZE = 64
BATCH = 4096
HIST_LEN = 200


def setup_inputs(seed: int = 0) -> dict:
    key = jax.random.key(seed)
    k_tab, k_tok = jax.random.split(key)
    # embed_mat of shape (num_loc, embed_size), then a zero padding row is appended
    embed_mat = jax.random.normal(k_tab, (NUM_LOC, EMBED_SIZE), dtype=jnp.float32)
    embed = jnp.concatenate([embed_mat, jnp.zeros((1, EMBED_SIZE), dtype=jnp.float32)], axis=0)
    token = jax.random.randint(k_tok, (BATCH, HIST_LEN), 0, NUM_LOC)
    return {"token": token, "embed": embed}


def reference(token, embed):
    # StaticEmbed.forward: return self.embed[token]
    return jnp.take(embed, token, axis=0)

if __name__ == "__main__":
    import jax
    _d = setup_inputs()
    print(jax.jit(kernel)(*tuple(_d.values())))

</pallas_src>

<mosaic_0001>
#map = affine_map<(d0, d1) -> (0, 0)>
module attributes {stable_mosaic.version = 14 : i64} {
  func.func @_body(%arg0: i32, %arg1: i32, %arg2: memref<4096x200xi32, #tpu.memory_space<hbm>>, %arg3: memref<1000001x64xf32, #tpu.memory_space<hbm>>, %arg4: memref<819200x128xf32, #tpu.memory_space<hbm>>, %arg5: memref<128x200xi32, #tpu.memory_space<vmem>>, %arg6: memref<4x200x64xf32, #tpu.memory_space<vmem>>, %arg7: memref<!tpu.dma_semaphore, #tpu.memory_space<semaphore_mem>>, %arg8: memref<!tpu.dma_semaphore, #tpu.memory_space<semaphore_mem>>, %arg9: memref<!tpu.dma_semaphore, #tpu.memory_space<semaphore_mem>>, %arg10: memref<!tpu.dma_semaphore, #tpu.memory_space<semaphore_mem>>, %arg11: memref<!tpu.dma_semaphore, #tpu.memory_space<semaphore_mem>>, %arg12: memref<!tpu.dma_semaphore, #tpu.memory_space<semaphore_mem>>, %arg13: memref<!tpu.dma_semaphore, #tpu.memory_space<semaphore_mem>>, %arg14: memref<!tpu.dma_semaphore, #tpu.memory_space<semaphore_mem>>) attributes {dimension_semantics = [#tpu.dimension_semantics<core_parallel>, #tpu.dimension_semantics<subcore_parallel>], iteration_bounds = array<i64: 2, 16>, scalar_prefetch = 0 : i64, scratch_operands = 10 : i64, tpu.core_type = #tpu.core_type<sc_vector_subcore>, window_params = [{transform_indices = #map}, {transform_indices = #map}, {transform_indices = #map}]} {
    %mul3A = arith.constant 2 : i32
    %mul3A_0 = arith.muli %arg1, %mul3A : i32
    %add3A = arith.addi %mul3A_0, %arg0 : i32
    %mul3A_1 = arith.constant 128 : i32
    %mul3A_2 = arith.muli %add3A, %mul3A_1 : i32
    "tpu.region"() ({
      %run_scoped3A = tpu.sem_alloc : memref<!tpu.dma_semaphore, #tpu.memory_space<semaphore_mem>>
      %dma_start3A_87 = arith.constant 0 : i32
      %dma_start3A_88 = tpu.memref_slice %arg2[%mul3A_2, %dma_start3A_87] : memref<4096x200xi32, #tpu.memory_space<hbm>> -> memref<128x200xi32, #tpu.memory_space<hbm>>
      %dma_start3A_89 = arith.constant 0 : i32
      %dma_start3A_90 = tpu.memref_slice %arg2[%mul3A_2, %dma_start3A_89] : memref<4096x200xi32, #tpu.memory_space<hbm>> -> memref<128x200xi32, #tpu.memory_space<hbm>>
      tpu.enqueue_dma source(%dma_start3A_90 : memref<128x200xi32, #tpu.memory_space<hbm>>) target(%arg5 : memref<128x200xi32, #tpu.memory_space<vmem>>) target_semaphore(%run_scoped3A : memref<!tpu.dma_semaphore, #tpu.memory_space<semaphore_mem>>)
      %dma_wait3A_91 = arith.constant 0 : i32
      %dma_wait3A_92 = tpu.memref_slice %arg2[%mul3A_2, %dma_wait3A_91] : memref<4096x200xi32, #tpu.memory_space<hbm>> -> memref<128x200xi32, #tpu.memory_space<hbm>>
      %dma_wait3A_93 = arith.constant 0 : i32
      %dma_wait3A_94 = tpu.memref_slice %arg2[%mul3A_2, %dma_wait3A_93] : memref<4096x200xi32, #tpu.memory_space<hbm>> -> memref<128x200xi32, #tpu.memory_space<hbm>>
      tpu.wait_dma2 semaphore(%run_scoped3A : memref<!tpu.dma_semaphore, #tpu.memory_space<semaphore_mem>>) src(%dma_wait3A_94 : memref<128x200xi32, #tpu.memory_space<hbm>>) dst(%arg5 : memref<128x200xi32, #tpu.memory_space<vmem>>)
      tpu.yield
    }) : () -> ()
    %dma_start3A = arith.constant 0 : i32
    %dma_start3A_3 = arith.constant 0 : i32
    %dma_start3A_4 = arith.constant 0 : i32
    %dma_start3A_5 = arith.constant 0 : i32
    %dma_start3A_6 = tpu.memref_slice %arg6[%dma_start3A_3, %dma_start3A_4, %dma_start3A_5] : memref<4x200x64xf32, #tpu.memory_space<vmem>> -> memref<1x104x64xf32, #tpu.memory_space<vmem>>
    %dma_start3A_7 = tpu.memref_squeeze %dma_start3A_6 : memref<1x104x64xf32, #tpu.memory_space<vmem>> -> memref<104x64xf32, #tpu.memory_space<vmem>>
    %dma_start3A_8 = arith.constant 0 : i32
    %dma_start3A_9 = tpu.memref_slice %arg5[%dma_start3A, %dma_start3A_8] : memref<128x200xi32, #tpu.memory_space<vmem>> -> memref<1x104xi32, #tpu.memory_space<vmem>>
    %dma_start3A_10 = tpu.memref_squeeze %dma_start3A_9 : memref<1x104xi32, #tpu.memory_space<vmem>> -> memref<104xi32, #tpu.memory_space<vmem>>
    %dma_start3A_11 = arith.constant 0 : i32
    %dma_start3A_12 = arith.constant 0 : i32
    %dma_start3A_13 = tpu.memref_slice %arg3[%dma_start3A_11, %dma_start3A_12] : memref<1000001x64xf32, #tpu.memory_space<hbm>> -> memref<1000001x64xf32, #tpu.memory_space<hbm>>
    tpu.enqueue_indirect_dma source(%dma_start3A_13 : memref<1000001x64xf32, #tpu.memory_space<hbm>>) target(%dma_start3A_7 : memref<104x64xf32, #tpu.memory_space<vmem>>) offsets(%dma_start3A_10 : memref<104xi32, #tpu.memory_space<vmem>>) semaphore(%arg7 : memref<!tpu.dma_semaphore, #tpu.memory_space<semaphore_mem>>)
    %dma_start3A_14 = arith.constant 0 : i32
    %dma_start3A_15 = arith.constant 0 : i32
    %dma_start3A_16 = arith.constant 104 : i32
    %dma_start3A_17 = arith.constant 0 : i32
    %dma_start3A_18 = tpu.memref_slice %arg6[%dma_start3A_15, %dma_start3A_16, %dma_start3A_17] : memref<4x200x64xf32, #tpu.memory_space<vmem>> -> memref<1x96x64xf32, #tpu.memory_space<vmem>>
    %dma_start3A_19 = tpu.memref_squeeze %dma_start3A_18 : memref<1x96x64xf32, #tpu.memory_space<vmem>> -> memref<96x64xf32, #tpu.memory_space<vmem>>
    %dma_start3A_20 = arith.constant 104 : i32
    %dma_start3A_21 = tpu.memref_slice %arg5[%dma_start3A_14, %dma_start3A_20] : memref<128x200xi32, #tpu.memory_space<vmem>> -> memref<1x96xi32, #tpu.memory_space<vmem>>
    %dma_start3A_22 = tpu.memref_squeeze %dma_start3A_21 : memref<1x96xi32, #tpu.memory_space<vmem>> -> memref<96xi32, #tpu.memory_space<vmem>>
    %dma_start3A_23 = arith.constant 0 : i32
    %dma_start3A_24 = arith.constant 0 : i32
    %dma_start3A_25 = tpu.memref_slice %arg3[%dma_start3A_23, %dma_start3A_24] : memref<1000001x64xf32, #tpu.memory_space<hbm>> -> memref<1000001x64xf32, #tpu.memory_space<hbm>>
    tpu.enqueue_indirect_dma source(%dma_start3A_25 : memref<1000001x64xf32, #tpu.memory_space<hbm>>) target(%dma_start3A_19 : memref<96x64xf32, #tpu.memory_space<vmem>>) offsets(%dma_start3A_22 : memref<96xi32, #tpu.memory_space<vmem>>) semaphore(%arg7 : memref<!tpu.dma_semaphore, #tpu.memory_space<semaphore_mem>>)
    %dma_start3A_26 = arith.constant 1 : i32
    %dma_start3A_27 = arith.constant 1 : i32
    %dma_start3A_28 = arith.constant 0 : i32
    %dma_start3A_29 = arith.constant 0 : i32
    %dma_start3A_30 = tpu.memref_slice %arg6[%dma_start3A_27, %dma_start3A_28, %dma_start3A_29] : memref<4x200x64xf32, #tpu.memory_space<vmem>> -> memref<1x104x64xf32, #tpu.memory_space<vmem>>
    %dma_start3A_31 = tpu.memref_squeeze %dma_start3A_30 : memref<1x104x64xf32, #tpu.memory_space<vmem>> -> memref<104x64xf32, #tpu.memory_space<vmem>>
    %dma_start3A_32 = arith.constant 0 : i32
    %dma_start3A_33 = tpu.memref_slice %arg5[%dma_start3A_26, %dma_start3A_32] : memref<128x200xi32, #tpu.memory_space<vmem>> -> memref<1x104xi32, #tpu.memory_space<vmem>>
    %dma_start3A_34 = tpu.memref_squeeze %dma_start3A_33 : memref<1x104xi32, #tpu.memory_space<vmem>> -> memref<104xi32, #tpu.memory_space<vmem>>
    %dma_start3A_35 = arith.constant 0 : i32
    %dma_start3A_36 = arith.constant 0 : i32
    %dma_start3A_37 = tpu.memref_slice %arg3[%dma_start3A_35, %dma_start3A_36] : memref<1000001x64xf32, #tpu.memory_space<hbm>> -> memref<1000001x64xf32, #tpu.memory_space<hbm>>
    tpu.enqueue_indirect_dma source(%dma_start3A_37 : memref<1000001x64xf32, #tpu.memory_space<hbm>>) target(%dma_start3A_31 : memref<104x64xf32, #tpu.memory_space<vmem>>) offsets(%dma_start3A_34 : memref<104xi32, #tpu.memory_space<vmem>>) semaphore(%arg8 : memref<!tpu.dma_semaphore, #tpu.memory_space<semaphore_mem>>)
    %dma_start3A_38 = arith.constant 1 : i32
    %dma_start3A_39 = arith.constant 1 : i32
    %dma_start3A_40 = arith.constant 104 : i32
    %dma_start3A_41 = arith.constant 0 : i32
    %dma_start3A_42 = tpu.memref_slice %arg6[%dma_start3A_39, %dma_start3A_40, %dma_start3A_41] : memref<4x200x64xf32, #tpu.memory_space<vmem>> -> memref<1x96x64xf32, #tpu.memory_space<vmem>>
    %dma_start3A_43 = tpu.memref_squeeze %dma_start3A_42 : memref<1x96x64xf32, #tpu.memory_space<vmem>> -> memref<96x64xf32, #tpu.memory_space<vmem>>
    %dma_start3A_44 = arith.constant 104 : i32
    %dma_start3A_45 = tpu.memref_slice %arg5[%dma_start3A_38, %dma_start3A_44] : memref<128x200xi32, #tpu.memory_space<vmem>> -> memref<1x96xi32, #tpu.memory_space<vmem>>
    %dma_start3A_46 = tpu.memref_squeeze %dma_start3A_45 : memref<1x96xi32, #tpu.memory_space<vmem>> -> memref<96xi32, #tpu.memory_space<vmem>>
    %dma_start3A_47 = arith.constant 0 : i32
    %dma_start3A_48 = arith.constant 0 : i32
    %dma_start3A_49 = tpu.memref_slice %arg3[%dma_start3A_47, %dma_start3A_48] : memref<1000001x64xf32, #tpu.memory_space<hbm>> -> memref<1000001x64xf32, #tpu.memory_space<hbm>>
    tpu.enqueue_indirect_dma source(%dma_start3A_49 : memref<1000001x64xf32, #tpu.memory_space<hbm>>) target(%dma_start3A_43 : memref<96x64xf32, #tpu.memory_space<vmem>>) offsets(%dma_start3A_46 : memref<96xi32, #tpu.memory_space<vmem>>) semaphore(%arg8 : memref<!tpu.dma_semaphore, #tpu.memory_space<semaphore_mem>>)
    %scan3A = arith.constant 0 : i32
    %scan3A_50 = arith.constant 32 : i32
    %scan3A_51 = arith.addi %scan3A, %scan3A_50 : i32
    %scan3A_52 = arith.constant 1 : i32
    scf.for %scan3A_87 = %scan3A to %scan3A_51 step %scan3A_52  : i32 {
      %mul3A_88 = arith.constant 4 : i32
      %mul3A_89 = arith.muli %mul3A_88, %scan3A_87 : i32
      %add3A_90 = arith.constant 0 : i32
      %add3A_91 = arith.addi %mul3A_89, %add3A_90 : i32
      %dma_wait3A_92 = arith.constant 0 : i32
      %dma_wait3A_93 = arith.constant 0 : i32
      %dma_wait3A_94 = arith.constant 0 : i32
      %dma_wait3A_95 = tpu.memref_slice %arg6[%dma_wait3A_92, %dma_wait3A_93, %dma_wait3A_94] : memref<4x200x64xf32, #tpu.memory_space<vmem>> -> memref<1x104x64xf32, #tpu.memory_space<vmem>>
      %dma_wait3A_96 = tpu.memref_squeeze %dma_wait3A_95 : memref<1x104x64xf32, #tpu.memory_space<vmem>> -> memref<104x64xf32, #tpu.memory_space<vmem>>
      %dma_wait3A_97 = arith.constant 0 : i32
      %dma_wait3A_98 = tpu.memref_slice %arg5[%add3A_91, %dma_wait3A_97] : memref<128x200xi32, #tpu.memory_space<vmem>> -> memref<1x104xi32, #tpu.memory_space<vmem>>
      %dma_wait3A_99 = tpu.memref_squeeze %dma_wait3A_98 : memref<1x104xi32, #tpu.memory_space<vmem>> -> memref<104xi32, #tpu.memory_space<vmem>>
      %dma_wait3A_100 = arith.constant 0 : i32
      %dma_wait3A_101 = arith.constant 0 : i32
      %dma_wait3A_102 = tpu.memref_slice %arg3[%dma_wait3A_100, %dma_wait3A_101] : memref<1000001x64xf32, #tpu.memory_space<hbm>> -> memref<1000001x64xf32, #tpu.memory_space<hbm>>
      tpu.wait_indirect_dma semaphore(%arg7 : memref<!tpu.dma_semaphore, #tpu.memory_space<semaphore_mem>>) src(%dma_wait3A_102 : memref<1000001x64xf32, #tpu.memory_space<hbm>>) dst(%dma_wait3A_96 : memref<104x64xf32, #tpu.memory_space<vmem>>)
      %dma_wait3A_103 = arith.constant 0 : i32
      %dma_wait3A_104 = arith.constant 104 : i32
      %dma_wait3A_105 = arith.constant 0 : i32
      %dma_wait3A_106 = tpu.memref_slice %arg6[%dma_wait3A_103, %dma_wait3A_104, %dma_wait3A_105] : memref<4x200x64xf32, #tpu.memory_space<vmem>> -> memref<1x96x64xf32, #tpu.memory_space<vmem>>
      %dma_wait3A_107 = tpu.memref_squeeze %dma_wait3A_106 : memref<1x96x64xf32, #tpu.memory_space<vmem>> -> memref<96x64xf32, #tpu.memory_space<vmem>>
      %dma_wait3A_108 = arith.constant 104 : i32
      %dma_wait3A_109 = tpu.memref_slice %arg5[%add3A_91, %dma_wait3A_108] : memref<128x200xi32, #tpu.memory_space<vmem>> -> memref<1x96xi32, #tpu.memory_space<vmem>>
      %dma_wait3A_110 = tpu.memref_squeeze %dma_wait3A_109 : memref<1x96xi32, #tpu.memory_space<vmem>> -> memref<96xi32, #tpu.memory_space<vmem>>
      %dma_wait3A_111 = arith.constant 0 : i32
      %dma_wait3A_112 = arith.constant 0 : i32
      %dma_wait3A_113 = tpu.memref_slice %arg3[%dma_wait3A_111, %dma_wait3A_112] : memref<1000001x64xf32, #tpu.memory_space<hbm>> -> memref<1000001x64xf32, #tpu.memory_space<hbm>>
      tpu.wait_indirect_dma semaphore(%arg7 : memref<!tpu.dma_semaphore, #tpu.memory_space<semaphore_mem>>) src(%dma_wait3A_113 : memref<1000001x64xf32, #tpu.memory_space<hbm>>) dst(%dma_wait3A_107 : memref<96x64xf32, #tpu.memory_space<vmem>>)
      %add3A_114 = arith.addi %mul3A_2, %add3A_91 : i32
      %mul3A_115 = arith.constant 200 : i32
      %mul3A_116 = arith.muli %add3A_114, %mul3A_115 : i32
      %dma_start3A_117 = arith.constant 0 : i32
      %dma_start3A_118 = arith.constant 0 : i32
      %dma_start3A_119 = arith.constant 0 : i32
      %dma_start3A_120 = tpu.memref_slice %arg6[%dma_start3A_117, %dma_start3A_118, %dma_start3A_119] : memref<4x200x64xf32, #tpu.memory_space<vmem>> -> memref<1x200x64xf32, #tpu.memory_space<vmem>>
      %dma_start3A_121 = tpu.memref_squeeze %dma_start3A_120 : memref<1x200x64xf32, #tpu.memory_space<vmem>> -> memref<200x64xf32, #tpu.memory_space<vmem>>
      %dma_start3A_122 = arith.constant 0 : i32
      %dma_start3A_123 = tpu.memref_slice %arg4[%mul3A_116, %dma_start3A_122] : memref<819200x128xf32, #tpu.memory_space<hbm>> -> memref<200x64xf32, #tpu.memory_space<hbm>>
      %dma_start3A_124 = arith.constant 0 : i32
      %dma_start3A_125 = tpu.memref_slice %arg4[%mul3A_116, %dma_start3A_124] : memref<819200x128xf32, #tpu.memory_space<hbm>> -> memref<200x64xf32, #tpu.memory_space<hbm>>
      %dma_start3A_126 = arith.constant 0 : i32
      %dma_start3A_127 = arith.constant 0 : i32
      %dma_start3A_128 = tpu.memref_slice %arg6[%dma_start3A_117, %dma_start3A_126, %dma_start3A_127] : memref<4x200x64xf32, #tpu.memory_space<vmem>> -> memref<1x200x64xf32, #tpu.memory_space<vmem>>
      %dma_start3A_129 = tpu.memref_squeeze %dma_start3A_128 : memref<1x200x64xf32, #tpu.memory_space<vmem>> -> memref<200x64xf32, #tpu.memory_space<vmem>>
      tpu.enqueue_dma source(%dma_start3A_129 : memref<200x64xf32, #tpu.memory_space<vmem>>) target(%dma_start3A_125 : memref<200x64xf32, #tpu.memory_space<hbm>>) target_semaphore(%arg11 : memref<!tpu.dma_semaphore, #tpu.memory_space<semaphore_mem>>)
      %ge3A = arith.constant 2 : i32
      %ge3A_130 = arith.cmpi sge, %add3A_91, %ge3A : i32
      %convert_element_type3A = arith.extui %ge3A_130 : i1 to i32
      %cond3A = arith.constant 0 : i32
      %cond3A_131 = arith.cmpi ne, %convert_element_type3A, %cond3A : i32
      scf.if %cond3A_131 {
        %sub3A = arith.constant 2 : i32
        %sub3A_300 = arith.subi %add3A_91, %sub3A : i32
        %add3A_301 = arith.addi %mul3A_2, %sub3A_300 : i32
        %mul3A_302 = arith.constant 200 : i32
        %mul3A_303 = arith.muli %add3A_301, %mul3A_302 : i32
        %dma_wait3A_304 = arith.constant 2 : i32
        %dma_wait3A_305 = arith.constant 0 : i32
        %dma_wait3A_306 = arith.constant 0 : i32
        %dma_wait3A_307 = tpu.memref_slice %arg6[%dma_wait3A_304, %dma_wait3A_305, %dma_wait3A_306] : memref<4x200x64xf32, #tpu.memory_space<vmem>> -> memref<1x200x64xf32, #tpu.memory_space<vmem>>
        %dma_wait3A_308 = tpu.memref_squeeze %dma_wait3A_307 : memref<1x200x64xf32, #tpu.memory_space<vmem>> -> memref<200x64xf32, #tpu.memory_space<vmem>>
        %dma_wait3A_309 = arith.constant 0 : i32
        %dma_wait3A_310 = tpu.memref_slice %arg4[%mul3A_303, %dma_wait3A_309] : memref<819200x128xf32, #tpu.memory_space<hbm>> -> memref<200x64xf32, #tpu.memory_space<hbm>>
        %dma_wait3A_311 = arith.constant 0 : i32
        %dma_wait3A_312 = tpu.memref_slice %arg4[%mul3A_303, %dma_wait3A_311] : memref<819200x128xf32, #tpu.memory_space<hbm>> -> memref<200x64xf32, #tpu.memory_space<hbm>>
        %dma_wait3A_313 = arith.constant 0 : i32
        %dma_wait3A_314 = arith.constant 0 : i32
        %dma_wait3A_315 = tpu.memref_slice %arg6[%dma_wait3A_304, %dma_wait3A_313, %dma_wait3A_314] : memref<4x200x64xf32, #tpu.memory_space<vmem>> -> memref<1x200x64xf32, #tpu.memory_space<vmem>>
        %dma_wait3A_316 = tpu.memref_squeeze %dma_wait3A_315 : memref<1x200x64xf32, #tpu.memory_space<vmem>> -> memref<200x64xf32, #tpu.memory_space<vmem>>
        tpu.wait_dma2 semaphore(%arg13 : memref<!tpu.dma_semaphore, #tpu.memory_space<semaphore_mem>>) src(%dma_wait3A_316 : memref<200x64xf32, #tpu.memory_space<vmem>>) dst(%dma_wait3A_312 : memref<200x64xf32, #tpu.memory_space<hbm>>)
      } else {
      }
      %add3A_132 = arith.constant 2 : i32
      %add3A_133 = arith.addi %add3A_91, %add3A_132 : i32
      %lt3A = arith.constant 128 : i32
      %lt3A_134 = arith.cmpi slt, %add3A_133, %lt3A : i32
      %convert_element_type3A_135 = arith.extui %lt3A_134 : i1 to i32
      %cond3A_136 = arith.constant 0 : i32
      %cond3A_137 = arith.cmpi ne, %convert_element_type3A_135, %cond3A_136 : i32
      scf.if %cond3A_137 {
        %add3A_300 = arith.constant 2 : i32
        %add3A_301 = arith.addi %add3A_91, %add3A_300 : i32
        %dma_start3A_302 = arith.constant 2 : i32
        %dma_start3A_303 = arith.constant 0 : i32
        %dma_start3A_304 = arith.constant 0 : i32
        %dma_start3A_305 = tpu.memref_slice %arg6[%dma_start3A_302, %dma_start3A_303, %dma_start3A_304] : memref<4x200x64xf32, #tpu.memory_space<vmem>> -> memref<1x104x64xf32, #tpu.memory_space<vmem>>
        %dma_start3A_306 = tpu.memref_squeeze %dma_start3A_305 : memref<1x104x64xf32, #tpu.memory_space<vmem>> -> memref<104x64xf32, #tpu.memory_space<vmem>>
        %dma_start3A_307 = arith.constant 0 : i32
        %dma_start3A_308 = tpu.memref_slice %arg5[%add3A_301, %dma_start3A_307] : memref<128x200xi32, #tpu.memory_space<vmem>> -> memref<1x104xi32, #tpu.memory_space<vmem>>
        %dma_start3A_309 = tpu.memref_squeeze %dma_start3A_308 : memref<1x104xi32, #tpu.memory_space<vmem>> -> memref<104xi32, #tpu.memory_space<vmem>>
        %dma_start3A_310 = arith.constant 0 : i32
        %dma_start3A_311 = arith.constant 0 : i32
        %dma_start3A_312 = tpu.memref_slice %arg3[%dma_start3A_310, %dma_start3A_311] : memref<1000001x64xf32, #tpu.memory_space<hbm>> -> memref<1000001x64xf32, #tpu.memory_space<hbm>>
        tpu.enqueue_indirect_dma source(%dma_start3A_312 : memref<1000001x64xf32, #tpu.memory_space<hbm>>) target(%dma_start3A_306 : memref<104x64xf32, #tpu.memory_space<vmem>>) offsets(%dma_start3A_309 : memref<104xi32, #tpu.memory_space<vmem>>) semaphore(%arg9 : memref<!tpu.dma_semaphore, #tpu.memory_space<semaphore_mem>>)
        %dma_start3A_313 = arith.constant 2 : i32
        %dma_start3A_314 = arith.constant 104 : i32
        %dma_start3A_315 = arith.constant 0 : i32
        %dma_start3A_316 = tpu.memref_slice %arg6[%dma_start3A_313, %dma_start3A_314, %dma_start3A_315] : memref<4x200x64xf32, #tpu.memory_space<vmem>> -> memref<1x96x64xf32, #tpu.memory_space<vmem>>
        %dma_start3A_317 = tpu.memref_squeeze %dma_start3A_316 : memref<1x96x64xf32, #tpu.memory_space<vmem>> -> memref<96x64xf32, #tpu.memory_space<vmem>>
        %dma_start3A_318 = arith.constant 104 : i32
        %dma_start3A_319 = tpu.memref_slice %arg5[%add3A_301, %dma_start3A_318] : memref<128x200xi32, #tpu.memory_space<vmem>> -> memref<1x96xi32, #tpu.memory_space<vmem>>
        %dma_start3A_320 = tpu.memref_squeeze %dma_start3A_319 : memref<1x96xi32, #tpu.memory_space<vmem>> -> memref<96xi32, #tpu.memory_space<vmem>>
        %dma_start3A_321 = arith.constant 0 : i32
        %dma_start3A_322 = arith.constant 0 : i32
        %dma_start3A_323 = tpu.memref_slice %arg3[%dma_start3A_321, %dma_start3A_322] : memref<1000001x64xf32, #tpu.memory_space<hbm>> -> memref<1000001x64xf32, #tpu.memory_space<hbm>>
        tpu.enqueue_indirect_dma source(%dma_start3A_323 : memref<1000001x64xf32, #tpu.memory_space<hbm>>) target(%dma_start3A_317 : memref<96x64xf32, #tpu.memory_space<vmem>>) offsets(%dma_start3A_320 : memref<96xi32, #tpu.memory_space<vmem>>) semaphore(%arg9 : memref<!tpu.dma_semaphore, #tpu.memory_space<semaphore_mem>>)
      } else {
      }
      %mul3A_138 = arith.constant 4 : i32
      %mul3A_139 = arith.muli %mul3A_138, %scan3A_87 : i32
      %add3A_140 = arith.constant 1 : i32
      %add3A_141 = arith.addi %mul3A_139, %add3A_140 : i32
      %dma_wait3A_142 = arith.constant 1 : i32
      %dma_wait3A_143 = arith.constant 0 : i32
      %dma_wait3A_144 = arith.constant 0 : i32
      %dma_wait3A_145 = tpu.memref_slice %arg6[%dma_wait3A_142, %dma_wait3A_143, %dma_wait3A_144] : memref<4x200x64xf32, #tpu.memory_space<vmem>> -> memref<1x104x64xf32, #tpu.memory_space<vmem>>
      %dma_wait3A_146 = tpu.memref_squeeze %dma_wait3A_145 : memref<1x104x64xf32, #tpu.memory_space<vmem>> -> memref<104x64xf32, #tpu.memory_space<vmem>>
      %dma_wait3A_147 = arith.constant 0 : i32
      %dma_wait3A_148 = tpu.memref_slice %arg5[%add3A_141, %dma_wait3A_147] : memref<128x200xi32, #tpu.memory_space<vmem>> -> memref<1x104xi32, #tpu.memory_space<vmem>>
      %dma_wait3A_149 = tpu.memref_squeeze %dma_wait3A_148 : memref<1x104xi32, #tpu.memory_space<vmem>> -> memref<104xi32, #tpu.memory_space<vmem>>
      %dma_wait3A_150 = arith.constant 0 : i32
      %dma_wait3A_151 = arith.constant 0 : i32
      %dma_wait3A_152 = tpu.memref_slice %arg3[%dma_wait3A_150, %dma_wait3A_151] : memref<1000001x64xf32, #tpu.memory_space<hbm>> -> memref<1000001x64xf32, #tpu.memory_space<hbm>>
      tpu.wait_indirect_dma semaphore(%arg8 : memref<!tpu.dma_semaphore, #tpu.memory_space<semaphore_mem>>) src(%dma_wait3A_152 : memref<1000001x64xf32, #tpu.memory_space<hbm>>) dst(%dma_wait3A_146 : memref<104x64xf32, #tpu.memory_space<vmem>>)
      %dma_wait3A_153 = arith.constant 1 : i32
      %dma_wait3A_154 = arith.constant 104 : i32
      %dma_wait3A_155 = arith.constant 0 : i32
      %dma_wait3A_156 = tpu.memref_slice %arg6[%dma_wait3A_153, %dma_wait3A_154, %dma_wait3A_155] : memref<4x200x64xf32, #tpu.memory_space<vmem>> -> memref<1x96x64xf32, #tpu.memory_space<vmem>>
      %dma_wait3A_157 = tpu.memref_squeeze %dma_wait3A_156 : memref<1x96x64xf32, #tpu.memory_space<vmem>> -> memref<96x64xf32, #tpu.memory_space<vmem>>
      %dma_wait3A_158 = arith.constant 104 : i32
      %dma_wait3A_159 = tpu.memref_slice %arg5[%add3A_141, %dma_wait3A_158] : memref<128x200xi32, #tpu.memory_space<vmem>> -> memref<1x96xi32, #tpu.memory_space<vmem>>
      %dma_wait3A_160 = tpu.memref_squeeze %dma_wait3A_159 : memref<1x96xi32, #tpu.memory_space<vmem>> -> memref<96xi32, #tpu.memory_space<vmem>>
      %dma_wait3A_161 = arith.constant 0 : i32
      %dma_wait3A_162 = arith.constant 0 : i32
      %dma_wait3A_163 = tpu.memref_slice %arg3[%dma_wait3A_161, %dma_wait3A_162] : memref<1000001x64xf32, #tpu.memory_space<hbm>> -> memref<1000001x64xf32, #tpu.memory_space<hbm>>
      tpu.wait_indirect_dma semaphore(%arg8 : memref<!tpu.dma_semaphore, #tpu.memory_space<semaphore_mem>>) src(%dma_wait3A_163 : memref<1000001x64xf32, #tpu.memory_space<hbm>>) dst(%dma_wait3A_157 : memref<96x64xf32, #tpu.memory_space<vmem>>)
      %add3A_164 = arith.addi %mul3A_2, %add3A_141 : i32
      %mul3A_165 = arith.constant 200 : i32
      %mul3A_166 = arith.muli %add3A_164, %mul3A_165 : i32
      %dma_start3A_167 = arith.constant 1 : i32
      %dma_start3A_168 = arith.constant 0 : i32
      %dma_start3A_169 = arith.constant 0 : i32
      %dma_start3A_170 = tpu.memref_slice %arg6[%dma_start3A_167, %dma_start3A_168, %dma_start3A_169] : memref<4x200x64xf32, #tpu.memory_space<vmem>> -> memref<1x200x64xf32, #tpu.memory_space<vmem>>
      %dma_start3A_171 = tpu.memref_squeeze %dma_start3A_170 : memref<1x200x64xf32, #tpu.memory_space<vmem>> -> memref<200x64xf32, #tpu.memory_space<vmem>>
      %dma_start3A_172 = arith.constant 0 : i32
      %dma_start3A_173 = tpu.memref_slice %arg4[%mul3A_166, %dma_start3A_172] : memref<819200x128xf32, #tpu.memory_space<hbm>> -> memref<200x64xf32, #tpu.memory_space<hbm>>
      %dma_start3A_174 = arith.constant 0 : i32
      %dma_start3A_175 = tpu.memref_slice %arg4[%mul3A_166, %dma_start3A_174] : memref<819200x128xf32, #tpu.memory_space<hbm>> -> memref<200x64xf32, #tpu.memory_space<hbm>>
      %dma_start3A_176 = arith.constant 0 : i32
      %dma_start3A_177 = arith.constant 0 : i32
      %dma_start3A_178 = tpu.memref_slice %arg6[%dma_start3A_167, %dma_start3A_176, %dma_start3A_177] : memref<4x200x64xf32, #tpu.memory_space<vmem>> -> memref<1x200x64xf32, #tpu.memory_space<vmem>>
      %dma_start3A_179 = tpu.memref_squeeze %dma_start3A_178 : memref<1x200x64xf32, #tpu.memory_space<vmem>> -> memref<200x64xf32, #tpu.memory_space<vmem>>
      tpu.enqueue_dma source(%dma_start3A_179 : memref<200x64xf32, #tpu.memory_space<vmem>>) target(%dma_start3A_175 : memref<200x64xf32, #tpu.memory_space<hbm>>) target_semaphore(%arg12 : memref<!tpu.dma_semaphore, #tpu.memory_space<semaphore_mem>>)
      %ge3A_180 = arith.constant 2 : i32
      %ge3A_181 = arith.cmpi sge, %add3A_141, %ge3A_180 : i32
      %convert_element_type3A_182 = arith.extui %ge3A_181 : i1 to i32
      %cond3A_183 = arith.constant 0 : i32
      %cond3A_184 = arith.cmpi ne, %convert_element_type3A_182, %cond3A_183 : i32
      scf.if %cond3A_184 {
        %sub3A = arith.constant 2 : i32
        %sub3A_300 = arith.subi %add3A_141, %sub3A : i32
        %add3A_301 = arith.addi %mul3A_2, %sub3A_300 : i32
        %mul3A_302 = arith.constant 200 : i32
        %mul3A_303 = arith.muli %add3A_301, %mul3A_302 : i32
        %dma_wait3A_304 = arith.constant 3 : i32
        %dma_wait3A_305 = arith.constant 0 : i32
        %dma_wait3A_306 = arith.constant 0 : i32
        %dma_wait3A_307 = tpu.memref_slice %arg6[%dma_wait3A_304, %dma_wait3A_305, %dma_wait3A_306] : memref<4x200x64xf32, #tpu.memory_space<vmem>> -> memref<1x200x64xf32, #tpu.memory_space<vmem>>
        %dma_wait3A_308 = tpu.memref_squeeze %dma_wait3A_307 : memref<1x200x64xf32, #tpu.memory_space<vmem>> -> memref<200x64xf32, #tpu.memory_space<vmem>>
        %dma_wait3A_309 = arith.constant 0 : i32
        %dma_wait3A_310 = tpu.memref_slice %arg4[%mul3A_303, %dma_wait3A_309] : memref<819200x128xf32, #tpu.memory_space<hbm>> -> memref<200x64xf32, #tpu.memory_space<hbm>>
        %dma_wait3A_311 = arith.constant 0 : i32
        %dma_wait3A_312 = tpu.memref_slice %arg4[%mul3A_303, %dma_wait3A_311] : memref<819200x128xf32, #tpu.memory_space<hbm>> -> memref<200x64xf32, #tpu.memory_space<hbm>>
        %dma_wait3A_313 = arith.constant 0 : i32
        %dma_wait3A_314 = arith.constant 0 : i32
        %dma_wait3A_315 = tpu.memref_slice %arg6[%dma_wait3A_304, %dma_wait3A_313, %dma_wait3A_314] : memref<4x200x64xf32, #tpu.memory_space<vmem>> -> memref<1x200x64xf32, #tpu.memory_space<vmem>>
        %dma_wait3A_316 = tpu.memref_squeeze %dma_wait3A_315 : memref<1x200x64xf32, #tpu.memory_space<vmem>> -> memref<200x64xf32, #tpu.memory_space<vmem>>
        tpu.wait_dma2 semaphore(%arg14 : memref<!tpu.dma_semaphore, #tpu.memory_space<semaphore_mem>>) src(%dma_wait3A_316 : memref<200x64xf32, #tpu.memory_space<vmem>>) dst(%dma_wait3A_312 : memref<200x64xf32, #tpu.memory_space<hbm>>)
      } else {
      }
      %add3A_185 = arith.constant 2 : i32
      %add3A_186 = arith.addi %add3A_141, %add3A_185 : i32
      %lt3A_187 = arith.constant 128 : i32
      %lt3A_188 = arith.cmpi slt, %add3A_186, %lt3A_187 : i32
      %convert_element_type3A_189 = arith.extui %lt3A_188 : i1 to i32
      %cond3A_190 = arith.constant 0 : i32
      %cond3A_191 = arith.cmpi ne, %convert_element_type3A_189, %cond3A_190 : i32
      scf.if %cond3A_191 {
        %add3A_300 = arith.constant 2 : i32
        %add3A_301 = arith.addi %add3A_141, %add3A_300 : i32
        %dma_start3A_302 = arith.constant 3 : i32
        %dma_start3A_303 = arith.constant 0 : i32
        %dma_start3A_304 = arith.constant 0 : i32
        %dma_start3A_305 = tpu.memref_slice %arg6[%dma_start3A_302, %dma_start3A_303, %dma_start3A_304] : memref<4x200x64xf32, #tpu.memory_space<vmem>> -> memref<1x104x64xf32, #tpu.memory_space<vmem>>
        %dma_start3A_306 = tpu.memref_squeeze %dma_start3A_305 : memref<1x104x64xf32, #tpu.memory_space<vmem>> -> memref<104x64xf32, #tpu.memory_space<vmem>>
        %dma_start3A_307 = arith.constant 0 : i32
        %dma_start3A_308 = tpu.memref_slice %arg5[%add3A_301, %dma_start3A_307] : memref<128x200xi32, #tpu.memory_space<vmem>> -> memref<1x104xi32, #tpu.memory_space<vmem>>
        %dma_start3A_309 = tpu.memref_squeeze %dma_start3A_308 : memref<1x104xi32, #tpu.memory_space<vmem>> -> memref<104xi32, #tpu.memory_space<vmem>>
        %dma_start3A_310 = arith.constant 0 : i32
        %dma_start3A_311 = arith.constant 0 : i32
        %dma_start3A_312 = tpu.memref_slice %arg3[%dma_start3A_310, %dma_start3A_311] : memref<1000001x64xf32, #tpu.memory_space<hbm>> -> memref<1000001x64xf32, #tpu.memory_space<hbm>>
        tpu.enqueue_indirect_dma source(%dma_start3A_312 : memref<1000001x64xf32, #tpu.memory_space<hbm>>) target(%dma_start3A_306 : memref<104x64xf32, #tpu.memory_space<vmem>>) offsets(%dma_start3A_309 : memref<104xi32, #tpu.memory_space<vmem>>) semaphore(%arg10 : memref<!tpu.dma_semaphore, #tpu.memory_space<semaphore_mem>>)
        %dma_start3A_313 = arith.constant 3 : i32
        %dma_start3A_314 = arith.constant 104 : i32
        %dma_start3A_315 = arith.constant 0 : i32
        %dma_start3A_316 = tpu.memref_slice %arg6[%dma_start3A_313, %dma_start3A_314, %dma_start3A_315] : memref<4x200x64xf32, #tpu.memory_space<vmem>> -> memref<1x96x64xf32, #tpu.memory_space<vmem>>
        %dma_start3A_317 = tpu.memref_squeeze %dma_start3A_316 : memref<1x96x64xf32, #tpu.memory_space<vmem>> -> memref<96x64xf32, #tpu.memory_space<vmem>>
        %dma_start3A_318 = arith.constant 104 : i32
        %dma_start3A_319 = tpu.memref_slice %arg5[%add3A_301, %dma_start3A_318] : memref<128x200xi32, #tpu.memory_space<vmem>> -> memref<1x96xi32, #tpu.memory_space<vmem>>
        %dma_start3A_320 = tpu.memref_squeeze %dma_start3A_319 : memref<1x96xi32, #tpu.memory_space<vmem>> -> memref<96xi32, #tpu.memory_space<vmem>>
        %dma_start3A_321 = arith.constant 0 : i32
        %dma_start3A_322 = arith.constant 0 : i32
        %dma_start3A_323 = tpu.memref_slice %arg3[%dma_start3A_321, %dma_start3A_322] : memref<1000001x64xf32, #tpu.memory_space<hbm>> -> memref<1000001x64xf32, #tpu.memory_space<hbm>>
        tpu.enqueue_indirect_dma source(%dma_start3A_323 : memref<1000001x64xf32, #tpu.memory_space<hbm>>) target(%dma_start3A_317 : memref<96x64xf32, #tpu.memory_space<vmem>>) offsets(%dma_start3A_320 : memref<96xi32, #tpu.memory_space<vmem>>) semaphore(%arg10 : memref<!tpu.dma_semaphore, #tpu.memory_space<semaphore_mem>>)
      } else {
      }
      %mul3A_192 = arith.constant 4 : i32
      %mul3A_193 = arith.muli %mul3A_192, %scan3A_87 : i32
      %add3A_194 = arith.constant 2 : i32
      %add3A_195 = arith.addi %mul3A_193, %add3A_194 : i32
      %dma_wait3A_196 = arith.constant 2 : i32
      %dma_wait3A_197 = arith.constant 0 : i32
      %dma_wait3A_198 = arith.constant 0 : i32
      %dma_wait3A_199 = tpu.memref_slice %arg6[%dma_wait3A_196, %dma_wait3A_197, %dma_wait3A_198] : memref<4x200x64xf32, #tpu.memory_space<vmem>> -> memref<1x104x64xf32, #tpu.memory_space<vmem>>
      %dma_wait3A_200 = tpu.memref_squeeze %dma_wait3A_199 : memref<1x104x64xf32, #tpu.memory_space<vmem>> -> memref<104x64xf32, #tpu.memory_space<vmem>>
      %dma_wait3A_201 = arith.constant 0 : i32
      %dma_wait3A_202 = tpu.memref_slice %arg5[%add3A_195, %dma_wait3A_201] : memref<128x200xi32, #tpu.memory_space<vmem>> -> memref<1x104xi32, #tpu.memory_space<vmem>>
      %dma_wait3A_203 = tpu.memref_squeeze %dma_wait3A_202 : memref<1x104xi32, #tpu.memory_space<vmem>> -> memref<104xi32, #tpu.memory_space<vmem>>
      %dma_wait3A_204 = arith.constant 0 : i32
      %dma_wait3A_205 = arith.constant 0 : i32
      %dma_wait3A_206 = tpu.memref_slice %arg3[%dma_wait3A_204, %dma_wait3A_205] : memref<1000001x64xf32, #tpu.memory_space<hbm>> -> memref<1000001x64xf32, #tpu.memory_space<hbm>>
      tpu.wait_indirect_dma semaphore(%arg9 : memref<!tpu.dma_semaphore, #tpu.memory_space<semaphore_mem>>) src(%dma_wait3A_206 : memref<1000001x64xf32, #tpu.memory_space<hbm>>) dst(%dma_wait3A_200 : memref<104x64xf32, #tpu.memory_space<vmem>>)
      %dma_wait3A_207 = arith.constant 2 : i32
      %dma_wait3A_208 = arith.constant 104 : i32
      %dma_wait3A_209 = arith.constant 0 : i32
      %dma_wait3A_210 = tpu.memref_slice %arg6[%dma_wait3A_207, %dma_wait3A_208, %dma_wait3A_209] : memref<4x200x64xf32, #tpu.memory_space<vmem>> -> memref<1x96x64xf32, #tpu.memory_space<vmem>>
      %dma_wait3A_211 = tpu.memref_squeeze %dma_wait3A_210 : memref<1x96x64xf32, #tpu.memory_space<vmem>> -> memref<96x64xf32, #tpu.memory_space<vmem>>
      %dma_wait3A_212 = arith.constant 104 : i32
      %dma_wait3A_213 = tpu.memref_slice %arg5[%add3A_195, %dma_wait3A_212] : memref<128x200xi32, #tpu.memory_space<vmem>> -> memref<1x96xi32, #tpu.memory_space<vmem>>
      %dma_wait3A_214 = tpu.memref_squeeze %dma_wait3A_213 : memref<1x96xi32, #tpu.memory_space<vmem>> -> memref<96xi32, #tpu.memory_space<vmem>>
      %dma_wait3A_215 = arith.constant 0 : i32
      %dma_wait3A_216 = arith.constant 0 : i32
      %dma_wait3A_217 = tpu.memref_slice %arg3[%dma_wait3A_215, %dma_wait3A_216] : memref<1000001x64xf32, #tpu.memory_space<hbm>> -> memref<1000001x64xf32, #tpu.memory_space<hbm>>
      tpu.wait_indirect_dma semaphore(%arg9 : memref<!tpu.dma_semaphore, #tpu.memory_space<semaphore_mem>>) src(%dma_wait3A_217 : memref<1000001x64xf32, #tpu.memory_space<hbm>>) dst(%dma_wait3A_211 : memref<96x64xf32, #tpu.memory_space<vmem>>)
      %add3A_218 = arith.addi %mul3A_2, %add3A_195 : i32
      %mul3A_219 = arith.constant 200 : i32
      %mul3A_220 = arith.muli %add3A_218, %mul3A_219 : i32
      %dma_start3A_221 = arith.constant 2 : i32
      %dma_start3A_222 = arith.constant 0 : i32
      %dma_start3A_223 = arith.constant 0 : i32
      %dma_start3A_224 = tpu.memref_slice %arg6[%dma_start3A_221, %dma_start3A_222, %dma_start3A_223] : memref<4x200x64xf32, #tpu.memory_space<vmem>> -> memref<1x200x64xf32, #tpu.memory_space<vmem>>
      %dma_start3A_225 = tpu.memref_squeeze %dma_start3A_224 : memref<1x200x64xf32, #tpu.memory_space<vmem>> -> memref<200x64xf32, #tpu.memory_space<vmem>>
      %dma_start3A_226 = arith.constant 0 : i32
      %dma_start3A_227 = tpu.memref_slice %arg4[%mul3A_220, %dma_start3A_226] : memref<819200x128xf32, #tpu.memory_space<hbm>> -> memref<200x64xf32, #tpu.memory_space<hbm>>
      %dma_start3A_228 = arith.constant 0 : i32
      %dma_start3A_229 = tpu.memref_slice %arg4[%mul3A_220, %dma_start3A_228] : memref<819200x128xf32, #tpu.memory_space<hbm>> -> memref<200x64xf32, #tpu.memory_space<hbm>>
      %dma_start3A_230 = arith.constant 0 : i32
      %dma_start3A_231 = arith.constant 0 : i32
      %dma_start3A_232 = tpu.memref_slice %arg6[%dma_start3A_221, %dma_start3A_230, %dma_start3A_231] : memref<4x200x64xf32, #tpu.memory_space<vmem>> -> memref<1x200x64xf32, #tpu.memory_space<vmem>>
      %dma_start3A_233 = tpu.memref_squeeze %dma_start3A_232 : memref<1x200x64xf32, #tpu.memory_space<vmem>> -> memref<200x64xf32, #tpu.memory_space<vmem>>
      tpu.enqueue_dma source(%dma_start3A_233 : memref<200x64xf32, #tpu.memory_space<vmem>>) target(%dma_start3A_229 : memref<200x64xf32, #tpu.memory_space<hbm>>) target_semaphore(%arg13 : memref<!tpu.dma_semaphore, #tpu.memory_space<semaphore_mem>>)
      %ge3A_234 = arith.constant 2 : i32
      %ge3A_235 = arith.cmpi sge, %add3A_195, %ge3A_234 : i32
      %convert_element_type3A_236 = arith.extui %ge3A_235 : i1 to i32
      %cond3A_237 = arith.constant 0 : i32
      %cond3A_238 = arith.cmpi ne, %convert_element_type3A_236, %cond3A_237 : i32
      scf.if %cond3A_238 {
        %sub3A = arith.constant 2 : i32
        %sub3A_300 = arith.subi %add3A_195, %sub3A : i32
        %add3A_301 = arith.addi %mul3A_2, %sub3A_300 : i32
        %mul3A_302 = arith.constant 200 : i32
        %mul3A_303 = arith.muli %add3A_301, %mul3A_302 : i32
        %dma_wait3A_304 = arith.constant 0 : i32
        %dma_wait3A_305 = arith.constant 0 : i32
        %dma_wait3A_306 = arith.constant 0 : i32
        %dma_wait3A_307 = tpu.memref_slice %arg6[%dma_wait3A_304, %dma_wait3A_305, %dma_wait3A_306] : memref<4x200x64xf32, #tpu.memory_space<vmem>> -> memref<1x200x64xf32, #tpu.memory_space<vmem>>
        %dma_wait3A_308 = tpu.memref_squeeze %dma_wait3A_307 : memref<1x200x64xf32, #tpu.memory_space<vmem>> -> memref<200x64xf32, #tpu.memory_space<vmem>>
        %dma_wait3A_309 = arith.constant 0 : i32
        %dma_wait3A_310 = tpu.memref_slice %arg4[%mul3A_303, %dma_wait3A_309] : memref<819200x128xf32, #tpu.memory_space<hbm>> -> memref<200x64xf32, #tpu.memory_space<hbm>>
        %dma_wait3A_311 = arith.constant 0 : i32
        %dma_wait3A_312 = tpu.memref_slice %arg4[%mul3A_303, %dma_wait3A_311] : memref<819200x128xf32, #tpu.memory_space<hbm>> -> memref<200x64xf32, #tpu.memory_space<hbm>>
        %dma_wait3A_313 = arith.constant 0 : i32
        %dma_wait3A_314 = arith.constant 0 : i32
        %dma_wait3A_315 = tpu.memref_slice %arg6[%dma_wait3A_304, %dma_wait3A_313, %dma_wait3A_314] : memref<4x200x64xf32, #tpu.memory_space<vmem>> -> memref<1x200x64xf32, #tpu.memory_space<vmem>>
        %dma_wait3A_316 = tpu.memref_squeeze %dma_wait3A_315 : memref<1x200x64xf32, #tpu.memory_space<vmem>> -> memref<200x64xf32, #tpu.memory_space<vmem>>
        tpu.wait_dma2 semaphore(%arg11 : memref<!tpu.dma_semaphore, #tpu.memory_space<semaphore_mem>>) src(%dma_wait3A_316 : memref<200x64xf32, #tpu.memory_space<vmem>>) dst(%dma_wait3A_312 : memref<200x64xf32, #tpu.memory_space<hbm>>)
      } else {
      }
      %add3A_239 = arith.constant 2 : i32
      %add3A_240 = arith.addi %add3A_195, %add3A_239 : i32
      %lt3A_241 = arith.constant 128 : i32
      %lt3A_242 = arith.cmpi slt, %add3A_240, %lt3A_241 : i32
      %convert_element_type3A_243 = arith.extui %lt3A_242 : i1 to i32
      %cond3A_244 = arith.constant 0 : i32
      %cond3A_245 = arith.cmpi ne, %convert_element_type3A_243, %cond3A_244 : i32
      scf.if %cond3A_245 {
        %add3A_300 = arith.constant 2 : i32
        %add3A_301 = arith.addi %add3A_195, %add3A_300 : i32
        %dma_start3A_302 = arith.constant 0 : i32
        %dma_start3A_303 = arith.constant 0 : i32
        %dma_start3A_304 = arith.constant 0 : i32
        %dma_start3A_305 = tpu.memref_slice %arg6[%dma_start3A_302, %dma_start3A_303, %dma_start3A_304] : memref<4x200x64xf32, #tpu.memory_space<vmem>> -> memref<1x104x64xf32, #tpu.memory_space<vmem>>
        %dma_start3A_306 = tpu.memref_squeeze %dma_start3A_305 : memref<1x104x64xf32, #tpu.memory_space<vmem>> -> memref<104x64xf32, #tpu.memory_space<vmem>>
        %dma_start3A_307 = arith.constant 0 : i32
        %dma_start3A_308 = tpu.memref_slice %arg5[%add3A_301, %dma_start3A_307] : memref<128x200xi32, #tpu.memory_space<vmem>> -> memref<1x104xi32, #tpu.memory_space<vmem>>
        %dma_start3A_309 = tpu.memref_squeeze %dma_start3A_308 : memref<1x104xi32, #tpu.memory_space<vmem>> -> memref<104xi32, #tpu.memory_space<vmem>>
        %dma_start3A_310 = arith.constant 0 : i32
        %dma_start3A_311 = arith.constant 0 : i32
        %dma_start3A_312 = tpu.memref_slice %arg3[%dma_start3A_310, %dma_start3A_311] : memref<1000001x64xf32, #tpu.memory_space<hbm>> -> memref<1000001x64xf32, #tpu.memory_space<hbm>>
        tpu.enqueue_indirect_dma source(%dma_start3A_312 : memref<1000001x64xf32, #tpu.memory_space<hbm>>) target(%dma_start3A_306 : memref<104x64xf32, #tpu.memory_space<vmem>>) offsets(%dma_start3A_309 : memref<104xi32, #tpu.memory_space<vmem>>) semaphore(%arg7 : memref<!tpu.dma_semaphore, #tpu.memory_space<semaphore_mem>>)
        %dma_start3A_313 = arith.constant 0 : i32
        %dma_start3A_314 = arith.constant 104 : i32
        %dma_start3A_315 = arith.constant 0 : i32
        %dma_start3A_316 = tpu.memref_slice %arg6[%dma_start3A_313, %dma_start3A_314, %dma_start3A_315] : memref<4x200x64xf32, #tpu.memory_space<vmem>> -> memref<1x96x64xf32, #tpu.memory_space<vmem>>
        %dma_start3A_317 = tpu.memref_squeeze %dma_start3A_316 : memref<1x96x64xf32, #tpu.memory_space<vmem>> -> memref<96x64xf32, #tpu.memory_space<vmem>>
        %dma_start3A_318 = arith.constant 104 : i32
        %dma_start3A_319 = tpu.memref_slice %arg5[%add3A_301, %dma_start3A_318] : memref<128x200xi32, #tpu.memory_space<vmem>> -> memref<1x96xi32, #tpu.memory_space<vmem>>
        %dma_start3A_320 = tpu.memref_squeeze %dma_start3A_319 : memref<1x96xi32, #tpu.memory_space<vmem>> -> memref<96xi32, #tpu.memory_space<vmem>>
        %dma_start3A_321 = arith.constant 0 : i32
        %dma_start3A_322 = arith.constant 0 : i32
        %dma_start3A_323 = tpu.memref_slice %arg3[%dma_start3A_321, %dma_start3A_322] : memref<1000001x64xf32, #tpu.memory_space<hbm>> -> memref<1000001x64xf32, #tpu.memory_space<hbm>>
        tpu.enqueue_indirect_dma source(%dma_start3A_323 : memref<1000001x64xf32, #tpu.memory_space<hbm>>) target(%dma_start3A_317 : memref<96x64xf32, #tpu.memory_space<vmem>>) offsets(%dma_start3A_320 : memref<96xi32, #tpu.memory_space<vmem>>) semaphore(%arg7 : memref<!tpu.dma_semaphore, #tpu.memory_space<semaphore_mem>>)
      } else {
      }
      %mul3A_246 = arith.constant 4 : i32
      %mul3A_247 = arith.muli %mul3A_246, %scan3A_87 : i32
      %add3A_248 = arith.constant 3 : i32
      %add3A_249 = arith.addi %mul3A_247, %add3A_248 : i32
      %dma_wait3A_250 = arith.constant 3 : i32
      %dma_wait3A_251 = arith.constant 0 : i32
      %dma_wait3A_252 = arith.constant 0 : i32
      %dma_wait3A_253 = tpu.memref_slice %arg6[%dma_wait3A_250, %dma_wait3A_251, %dma_wait3A_252] : memref<4x200x64xf32, #tpu.memory_space<vmem>> -> memref<1x104x64xf32, #tpu.memory_space<vmem>>
      %dma_wait3A_254 = tpu.memref_squeeze %dma_wait3A_253 : memref<1x104x64xf32, #tpu.memory_space<vmem>> -> memref<104x64xf32, #tpu.memory_space<vmem>>
      %dma_wait3A_255 = arith.constant 0 : i32
      %dma_wait3A_256 = tpu.memref_slice %arg5[%add3A_249, %dma_wait3A_255] : memref<128x200xi32, #tpu.memory_space<vmem>> -> memref<1x104xi32, #tpu.memory_space<vmem>>
      %dma_wait3A_257 = tpu.memref_squeeze %dma_wait3A_256 : memref<1x104xi32, #tpu.memory_space<vmem>> -> memref<104xi32, #tpu.memory_space<vmem>>
      %dma_wait3A_258 = arith.constant 0 : i32
      %dma_wait3A_259 = arith.constant 0 : i32
      %dma_wait3A_260 = tpu.memref_slice %arg3[%dma_wait3A_258, %dma_wait3A_259] : memref<1000001x64xf32, #tpu.memory_space<hbm>> -> memref<1000001x64xf32, #tpu.memory_space<hbm>>
      tpu.wait_indirect_dma semaphore(%arg10 : memref<!tpu.dma_semaphore, #tpu.memory_space<semaphore_mem>>) src(%dma_wait3A_260 : memref<1000001x64xf32, #tpu.memory_space<hbm>>) dst(%dma_wait3A_254 : memref<104x64xf32, #tpu.memory_space<vmem>>)
      %dma_wait3A_261 = arith.constant 3 : i32
      %dma_wait3A_262 = arith.constant 104 : i32
      %dma_wait3A_263 = arith.constant 0 : i32
      %dma_wait3A_264 = tpu.memref_slice %arg6[%dma_wait3A_261, %dma_wait3A_262, %dma_wait3A_263] : memref<4x200x64xf32, #tpu.memory_space<vmem>> -> memref<1x96x64xf32, #tpu.memory_space<vmem>>
      %dma_wait3A_265 = tpu.memref_squeeze %dma_wait3A_264 : memref<1x96x64xf32, #tpu.memory_space<vmem>> -> memref<96x64xf32, #tpu.memory_space<vmem>>
      %dma_wait3A_266 = arith.constant 104 : i32
      %dma_wait3A_267 = tpu.memref_slice %arg5[%add3A_249, %dma_wait3A_266] : memref<128x200xi32, #tpu.memory_space<vmem>> -> memref<1x96xi32, #tpu.memory_space<vmem>>
      %dma_wait3A_268 = tpu.memref_squeeze %dma_wait3A_267 : memref<1x96xi32, #tpu.memory_space<vmem>> -> memref<96xi32, #tpu.memory_space<vmem>>
      %dma_wait3A_269 = arith.constant 0 : i32
      %dma_wait3A_270 = arith.constant 0 : i32
      %dma_wait3A_271 = tpu.memref_slice %arg3[%dma_wait3A_269, %dma_wait3A_270] : memref<1000001x64xf32, #tpu.memory_space<hbm>> -> memref<1000001x64xf32, #tpu.memory_space<hbm>>
      tpu.wait_indirect_dma semaphore(%arg10 : memref<!tpu.dma_semaphore, #tpu.memory_space<semaphore_mem>>) src(%dma_wait3A_271 : memref<1000001x64xf32, #tpu.memory_space<hbm>>) dst(%dma_wait3A_265 : memref<96x64xf32, #tpu.memory_space<vmem>>)
      %add3A_272 = arith.addi %mul3A_2, %add3A_249 : i32
      %mul3A_273 = arith.constant 200 : i32
      %mul3A_274 = arith.muli %add3A_272, %mul3A_273 : i32
      %dma_start3A_275 = arith.constant 3 : i32
      %dma_start3A_276 = arith.constant 0 : i32
      %dma_start3A_277 = arith.constant 0 : i32
      %dma_start3A_278 = tpu.memref_slice %arg6[%dma_start3A_275, %dma_start3A_276, %dma_start3A_277] : memref<4x200x64xf32, #tpu.memory_space<vmem>> -> memref<1x200x64xf32, #tpu.memory_space<vmem>>
      %dma_start3A_279 = tpu.memref_squeeze %dma_start3A_278 : memref<1x200x64xf32, #tpu.memory_space<vmem>> -> memref<200x64xf32, #tpu.memory_space<vmem>>
      %dma_start3A_280 = arith.constant 0 : i32
      %dma_start3A_281 = tpu.memref_slice %arg4[%mul3A_274, %dma_start3A_280] : memref<819200x128xf32, #tpu.memory_space<hbm>> -> memref<200x64xf32, #tpu.memory_space<hbm>>
      %dma_start3A_282 = arith.constant 0 : i32
      %dma_start3A_283 = tpu.memref_slice %arg4[%mul3A_274, %dma_start3A_282] : memref<819200x128xf32, #tpu.memory_space<hbm>> -> memref<200x64xf32, #tpu.memory_space<hbm>>
      %dma_start3A_284 = arith.constant 0 : i32
      %dma_start3A_285 = arith.constant 0 : i32
      %dma_start3A_286 = tpu.memref_slice %arg6[%dma_start3A_275, %dma_start3A_284, %dma_start3A_285] : memref<4x200x64xf32, #tpu.memory_space<vmem>> -> memref<1x200x64xf32, #tpu.memory_space<vmem>>
      %dma_start3A_287 = tpu.memref_squeeze %dma_start3A_286 : memref<1x200x64xf32, #tpu.memory_space<vmem>> -> memref<200x64xf32, #tpu.memory_space<vmem>>
      tpu.enqueue_dma source(%dma_start3A_287 : memref<200x64xf32, #tpu.memory_space<vmem>>) target(%dma_start3A_283 : memref<200x64xf32, #tpu.memory_space<hbm>>) target_semaphore(%arg14 : memref<!tpu.dma_semaphore, #tpu.memory_space<semaphore_mem>>)
      %ge3A_288 = arith.constant 2 : i32
      %ge3A_289 = arith.cmpi sge, %add3A_249, %ge3A_288 : i32
      %convert_element_type3A_290 = arith.extui %ge3A_289 : i1 to i32
      %cond3A_291 = arith.constant 0 : i32
      %cond3A_292 = arith.cmpi ne, %convert_element_type3A_290, %cond3A_291 : i32
      scf.if %cond3A_292 {
        %sub3A = arith.constant 2 : i32
        %sub3A_300 = arith.subi %add3A_249, %sub3A : i32
        %add3A_301 = arith.addi %mul3A_2, %sub3A_300 : i32
        %mul3A_302 = arith.constant 200 : i32
        %mul3A_303 = arith.muli %add3A_301, %mul3A_302 : i32
        %dma_wait3A_304 = arith.constant 1 : i32
        %dma_wait3A_305 = arith.constant 0 : i32
        %dma_wait3A_306 = arith.constant 0 : i32
        %dma_wait3A_307 = tpu.memref_slice %arg6[%dma_wait3A_304, %dma_wait3A_305, %dma_wait3A_306] : memref<4x200x64xf32, #tpu.memory_space<vmem>> -> memref<1x200x64xf32, #tpu.memory_space<vmem>>
        %dma_wait3A_308 = tpu.memref_squeeze %dma_wait3A_307 : memref<1x200x64xf32, #tpu.memory_space<vmem>> -> memref<200x64xf32, #tpu.memory_space<vmem>>
        %dma_wait3A_309 = arith.constant 0 : i32
        %dma_wait3A_310 = tpu.memref_slice %arg4[%mul3A_303, %dma_wait3A_309] : memref<819200x128xf32, #tpu.memory_space<hbm>> -> memref<200x64xf32, #tpu.memory_space<hbm>>
        %dma_wait3A_311 = arith.constant 0 : i32
        %dma_wait3A_312 = tpu.memref_slice %arg4[%mul3A_303, %dma_wait3A_311] : memref<819200x128xf32, #tpu.memory_space<hbm>> -> memref<200x64xf32, #tpu.memory_space<hbm>>
        %dma_wait3A_313 = arith.constant 0 : i32
        %dma_wait3A_314 = arith.constant 0 : i32
        %dma_wait3A_315 = tpu.memref_slice %arg6[%dma_wait3A_304, %dma_wait3A_313, %dma_wait3A_314] : memref<4x200x64xf32, #tpu.memory_space<vmem>> -> memref<1x200x64xf32, #tpu.memory_space<vmem>>
        %dma_wait3A_316 = tpu.memref_squeeze %dma_wait3A_315 : memref<1x200x64xf32, #tpu.memory_space<vmem>> -> memref<200x64xf32, #tpu.memory_space<vmem>>
        tpu.wait_dma2 semaphore(%arg12 : memref<!tpu.dma_semaphore, #tpu.memory_space<semaphore_mem>>) src(%dma_wait3A_316 : memref<200x64xf32, #tpu.memory_space<vmem>>) dst(%dma_wait3A_312 : memref<200x64xf32, #tpu.memory_space<hbm>>)
      } else {
      }
      %add3A_293 = arith.constant 2 : i32
      %add3A_294 = arith.addi %add3A_249, %add3A_293 : i32
      %lt3A_295 = arith.constant 128 : i32
      %lt3A_296 = arith.cmpi slt, %add3A_294, %lt3A_295 : i32
      %convert_element_type3A_297 = arith.extui %lt3A_296 : i1 to i32
      %cond3A_298 = arith.constant 0 : i32
      %cond3A_299 = arith.cmpi ne, %convert_element_type3A_297, %cond3A_298 : i32
      scf.if %cond3A_299 {
        %add3A_300 = arith.constant 2 : i32
        %add3A_301 = arith.addi %add3A_249, %add3A_300 : i32
        %dma_start3A_302 = arith.constant 1 : i32
        %dma_start3A_303 = arith.constant 0 : i32
        %dma_start3A_304 = arith.constant 0 : i32
        %dma_start3A_305 = tpu.memref_slice %arg6[%dma_start3A_302, %dma_start3A_303, %dma_start3A_304] : memref<4x200x64xf32, #tpu.memory_space<vmem>> -> memref<1x104x64xf32, #tpu.memory_space<vmem>>
        %dma_start3A_306 = tpu.memref_squeeze %dma_start3A_305 : memref<1x104x64xf32, #tpu.memory_space<vmem>> -> memref<104x64xf32, #tpu.memory_space<vmem>>
        %dma_start3A_307 = arith.constant 0 : i32
        %dma_start3A_308 = tpu.memref_slice %arg5[%add3A_301, %dma_start3A_307] : memref<128x200xi32, #tpu.memory_space<vmem>> -> memref<1x104xi32, #tpu.memory_space<vmem>>
        %dma_start3A_309 = tpu.memref_squeeze %dma_start3A_308 : memref<1x104xi32, #tpu.memory_space<vmem>> -> memref<104xi32, #tpu.memory_space<vmem>>
        %dma_start3A_310 = arith.constant 0 : i32
        %dma_start3A_311 = arith.constant 0 : i32
        %dma_start3A_312 = tpu.memref_slice %arg3[%dma_start3A_310, %dma_start3A_311] : memref<1000001x64xf32, #tpu.memory_space<hbm>> -> memref<1000001x64xf32, #tpu.memory_space<hbm>>
        tpu.enqueue_indirect_dma source(%dma_start3A_312 : memref<1000001x64xf32, #tpu.memory_space<hbm>>) target(%dma_start3A_306 : memref<104x64xf32, #tpu.memory_space<vmem>>) offsets(%dma_start3A_309 : memref<104xi32, #tpu.memory_space<vmem>>) semaphore(%arg8 : memref<!tpu.dma_semaphore, #tpu.memory_space<semaphore_mem>>)
        %dma_start3A_313 = arith.constant 1 : i32
        %dma_start3A_314 = arith.constant 104 : i32
        %dma_start3A_315 = arith.constant 0 : i32
        %dma_start3A_316 = tpu.memref_slice %arg6[%dma_start3A_313, %dma_start3A_314, %dma_start3A_315] : memref<4x200x64xf32, #tpu.memory_space<vmem>> -> memref<1x96x64xf32, #tpu.memory_space<vmem>>
        %dma_start3A_317 = tpu.memref_squeeze %dma_start3A_316 : memref<1x96x64xf32, #tpu.memory_space<vmem>> -> memref<96x64xf32, #tpu.memory_space<vmem>>
        %dma_start3A_318 = arith.constant 104 : i32
        %dma_start3A_319 = tpu.memref_slice %arg5[%add3A_301, %dma_start3A_318] : memref<128x200xi32, #tpu.memory_space<vmem>> -> memref<1x96xi32, #tpu.memory_space<vmem>>
        %dma_start3A_320 = tpu.memref_squeeze %dma_start3A_319 : memref<1x96xi32, #tpu.memory_space<vmem>> -> memref<96xi32, #tpu.memory_space<vmem>>
        %dma_start3A_321 = arith.constant 0 : i32
        %dma_start3A_322 = arith.constant 0 : i32
        %dma_start3A_323 = tpu.memref_slice %arg3[%dma_start3A_321, %dma_start3A_322] : memref<1000001x64xf32, #tpu.memory_space<hbm>> -> memref<1000001x64xf32, #tpu.memory_space<hbm>>
        tpu.enqueue_indirect_dma source(%dma_start3A_323 : memref<1000001x64xf32, #tpu.memory_space<hbm>>) target(%dma_start3A_317 : memref<96x64xf32, #tpu.memory_space<vmem>>) offsets(%dma_start3A_320 : memref<96xi32, #tpu.memory_space<vmem>>) semaphore(%arg8 : memref<!tpu.dma_semaphore, #tpu.memory_space<semaphore_mem>>)
      } else {
      }
    }
    %scan3A_53 = arith.constant 32 : i32
    %add3A_54 = arith.constant 126 : i32
    %add3A_55 = arith.addi %mul3A_2, %add3A_54 : i32
    %mul3A_56 = arith.constant 200 : i32
    %mul3A_57 = arith.muli %add3A_55, %mul3A_56 : i32
    %dma_wait3A = arith.constant 2 : i32
    %dma_wait3A_58 = arith.constant 0 : i32
    %dma_wait3A_59 = arith.constant 0 : i32
    %dma_wait3A_60 = tpu.memref_slice %arg6[%dma_wait3A, %dma_wait3A_58, %dma_wait3A_59] : memref<4x200x64xf32, #tpu.memory_space<vmem>> -> memref<1x200x64xf32, #tpu.memory_space<vmem>>
    %dma_wait3A_61 = tpu.memref_squeeze %dma_wait3A_60 : memref<1x200x64xf32, #tpu.memory_space<vmem>> -> memref<200x64xf32, #tpu.memory_space<vmem>>
    %dma_wait3A_62 = arith.constant 0 : i32
    %dma_wait3A_63 = tpu.memref_slice %arg4[%mul3A_57, %dma_wait3A_62] : memref<819200x128xf32, #tpu.memory_space<hbm>> -> memref<200x64xf32, #tpu.memory_space<hbm>>
    %dma_wait3A_64 = arith.constant 0 : i32
    %dma_wait3A_65 = tpu.memref_slice %arg4[%mul3A_57, %dma_wait3A_64] : memref<819200x128xf32, #tpu.memory_space<hbm>> -> memref<200x64xf32, #tpu.memory_space<hbm>>
    %dma_wait3A_66 = arith.constant 0 : i32
    %dma_wait3A_67 = arith.constant 0 : i32
    %dma_wait3A_68 = tpu.memref_slice %arg6[%dma_wait3A, %dma_wait3A_66, %dma_wait3A_67] : memref<4x200x64xf32, #tpu.memory_space<vmem>> -> memref<1x200x64xf32, #tpu.memory_space<vmem>>
    %dma_wait3A_69 = tpu.memref_squeeze %dma_wait3A_68 : memref<1x200x64xf32, #tpu.memory_space<vmem>> -> memref<200x64xf32, #tpu.memory_space<vmem>>
    tpu.wait_dma2 semaphore(%arg13 : memref<!tpu.dma_semaphore, #tpu.memory_space<semaphore_mem>>) src(%dma_wait3A_69 : memref<200x64xf32, #tpu.memory_space<vmem>>) dst(%dma_wait3A_65 : memref<200x64xf32, #tpu.memory_space<hbm>>)
    %add3A_70 = arith.constant 127 : i32
    %add3A_71 = arith.addi %mul3A_2, %add3A_70 : i32
    %mul3A_72 = arith.constant 200 : i32
    %mul3A_73 = arith.muli %add3A_71, %mul3A_72 : i32
    %dma_wait3A_74 = arith.constant 3 : i32
    %dma_wait3A_75 = arith.constant 0 : i32
    %dma_wait3A_76 = arith.constant 0 : i32
    %dma_wait3A_77 = tpu.memref_slice %arg6[%dma_wait3A_74, %dma_wait3A_75, %dma_wait3A_76] : memref<4x200x64xf32, #tpu.memory_space<vmem>> -> memref<1x200x64xf32, #tpu.memory_space<vmem>>
    %dma_wait3A_78 = tpu.memref_squeeze %dma_wait3A_77 : memref<1x200x64xf32, #tpu.memory_space<vmem>> -> memref<200x64xf32, #tpu.memory_space<vmem>>
    %dma_wait3A_79 = arith.constant 0 : i32
    %dma_wait3A_80 = tpu.memref_slice %arg4[%mul3A_73, %dma_wait3A_79] : memref<819200x128xf32, #tpu.memory_space<hbm>> -> memref<200x64xf32, #tpu.memory_space<hbm>>
    %dma_wait3A_81 = arith.constant 0 : i32
    %dma_wait3A_82 = tpu.memref_slice %arg4[%mul3A_73, %dma_wait3A_81] : memref<819200x128xf32, #tpu.memory_space<hbm>> -> memref<200x64xf32, #tpu.memory_space<hbm>>
    %dma_wait3A_83 = arith.constant 0 : i32
    %dma_wait3A_84 = arith.constant 0 : i32
    %dma_wait3A_85 = tpu.memref_slice %arg6[%dma_wait3A_74, %dma_wait3A_83, %dma_wait3A_84] : memref<4x200x64xf32, #tpu.memory_space<vmem>> -> memref<1x200x64xf32, #tpu.memory_space<vmem>>
    %dma_wait3A_86 = tpu.memref_squeeze %dma_wait3A_85 : memref<1x200x64xf32, #tpu.memory_space<vmem>> -> memref<200x64xf32, #tpu.memory_space<vmem>>
    tpu.wait_dma2 semaphore(%arg14 : memref<!tpu.dma_semaphore, #tpu.memory_space<semaphore_mem>>) src(%dma_wait3A_86 : memref<200x64xf32, #tpu.memory_space<vmem>>) dst(%dma_wait3A_82 : memref<200x64xf32, #tpu.memory_space<hbm>>)
    return
  }
}

</mosaic_0001>

<sc_bundles>
// kernel: _embed_lookup.3.cloned.1.call-start
scs
__scs_entry_jumppad:
0x0: {  	(pc) =	sbr.rel $0x88, $3  }
0x1: {  	(tag) =	ssettag $0x0;
	lr =	simm.s32 $0x1  }
0x2: {  	[smem:$0x3F9F] =	sst lr;
	_ =	strace $0xD0000000  }
0x3: {  	_ = 	snop  }
0x4: {  	_ = 	snop  }
0x5: {  	_ = 	snop  }
0x6: {  	_ = 	snop  }
0x7: {  	_ = 	snop  }
__scs_overlays_trampoline_lowered:
0x8: {  	[smem:$0x3FAE] =	sst s0  }
0x9: {  	[smem:$0x3FAF] =	sst s1  }
0xa: {  	[smem:$0x3FB0] =	sst s2  }
0xb: {  	[smem:$0x3FB1] =	sst s3  }
0xc: {  	[smem:$0x3FB2] =	sst s4  }
0xd: {  	[smem:$0x3FB3] =	sst s5  }
0xe: {  	[smem:$0x3FB4] =	sst s6  }
0xf: {  	[smem:$0x3FB5] =	sst s7  }
0x10: {  	[smem:$0x3FB6] =	sst s8  }
0x11: {  	[smem:$0x3FB7] =	sst s9;
	s0 =	simm.s32 @!p0 $0x0  }
0x12: {  	s1 =	sld [smem:$0x3F9D];
	s0 =	simm.s32 @p0 $0x1  }
0x13: {  	[smem:$0x3FB8] =	sst s0;
	s0 =	simm.s32 @!p1 $0x0  }
0x14: {  	s2 =	sld [smem:$0x3F9C];
	s0 =	simm.s32 @p1 $0x1  }
0x15: {  	[smem:$0x3FB9] =	sst s0;
	s0 =	simm.s32 @!p2 $0x0  }
0x16: {  	s3 =	sld [smem:$0x3FDB];
	s0 =	simm.s32 @p2 $0x1  }
0x17: {  	s4 =	simm.s32 $0x1BF5;
	[smem:$0x3FBB] =	sst s0  }
0x18: {  	s0 =	sld [smem:$0x3F9E];
	_ =	swait.ge [sflag:s4], $0x0  }
0x19: {  	s7 =	sld [smem:$0x3F9F]  }
0x1a: {  	s8 =	sadd.s32 $0xFFFFE003, lr  }
0x1b: {  	s9 =	sadd.s32 $0xFFFFFEF7, lr;
	s5 =	simm.s32 $0xFFFFFFFF;
	p2 =	slt.u32 s8, $0xFFFFF086  }
0x1c: {  	p1 =	slt.u32 s9, $0xF7A;
	s5 =	simm.s32 @!p2 $0x0  }
0x1d: {  	s5 =	simm.s32 @p1 $0x1;
	p0 =	seq.s32 s7, s2  }
0x1e: {  	s7 =	smul.u32 @!p0 $0xF7A, s2;
	p2 =	seq.s32 @!p0 s5, $0x0  }
0x1f: {  	s9 =	smul.u32 $0xF7A, s1;
	s8 =	simm.s32 @!p0 $0x1BF5;
	p2 =	por !p2, p0  }
0x20: {  	[sflag:s8] =	ssyncset.s32 @!p0 $0xFFFFF086;
	s6 =	sadd.s32 @!p0 s3, s7;
	s7 =	simm.s32 @!p0 $0x108  }
0x21: {  	s3 =	sadd.s32 s3, s9;
	s6 =	sadd.s32 @!p0 $0x88, s6;
	s7 =	simm.s32 @p2 $0x1082  }
0x22: {  	[simem:s7], [sflag:s8] =	dma.local @!p0 [hbm:s6], $0xF7A  }
0x23: {  	s9 =	sor.u32 $0xD0000000, s2;
	s6 =	simm.s32 $0x108;
	_ =	swait.ge @!p0 [sflag:s8], $0x0  }
0x24: {  	s3 =	sadd.s32 $0x88, s3;
	s6 =	simm.s32 @!p1 $0x1082;
	[sflag:s4] =	ssyncset.s32 $0xFFFFF086  }
0x25: {  	[simem:s6], [sflag:s4] =	dma.local [hbm:s3], $0xF7A  }
0x26: {  	[smem:$0x3F9F] =	sst s1;
	(tag) =	ssettag s2;
	_ =	strace s9  }
0x27: {  	s1 =	sld [smem:$0x3FAF]  }
0x28: {  	s2 =	sld [smem:$0x3FB0]  }
0x29: {  	s4 =	sld [smem:$0x3FB2]  }
0x2a: {  	p0 =	seq.s32 s5, $0x0;
	s5 =	sld [smem:$0x3FB3]  }
0x2b: {  	s6 =	sld [smem:$0x3FB4]  }
0x2c: {  	s7 =	sld [smem:$0x3FB5]  }
0x2d: {  	s3 =	simm.s32 $0x108;
	s8 =	sld [smem:$0x3FB6]  }
0x2e: {  	s3 =	simm.s32 @!p0 $0x1082;
	s9 =	sld [smem:$0x3FB7]  }
0x2f: {  	lr =	sadd.s32 s0, s3;
	s0 =	sld [smem:$0x3FAE]  }
0x30: {  	s3 =	sld [smem:$0x3FB1]  }
0x31: {  	[smem:$0x3FBA] =	sst s10  }
0x32: {  	s10 =	sld [smem:$0x3FB8];
	_ =	sdelay $0x3  }
0x33: {  	p0 =	seq.s32 s10, $0x1;
	s10 =	sld [smem:$0x3FBA];
	_ =	sdelay $0x3  }
0x34: {  	[smem:$0x3FBA] =	sst s10  }
0x35: {  	s10 =	sld [smem:$0x3FB9];
	_ =	sdelay $0x3  }
0x36: {  	p1 =	seq.s32 s10, $0x1;
	s10 =	sld [smem:$0x3FBA];
	_ =	sdelay $0x3  }
0x37: {  	[smem:$0x3FBA] =	sst s10  }
0x38: {  	s10 =	sld [smem:$0x3FBB]  }
0x39: {  	_ = 	snop;
	(pc) =	sbr.ind lr, $3  }
0x3a: {  	_ = 	snop  }
0x3b: {  	_ = 	snop  }
0x3c: {  	p2 =	seq.s32 s10, $0x1;
	s10 =	sld [smem:$0x3FBA]  }
0x3d: {  	_ =	shalt  }
0x3e: {  	_ =	shalt  }
0x3f: {  	_ =	shalt  }
0x40: {  	_ =	shalt  }
0x41: {  	_ =	shalt  }
0x42: {  	_ =	shalt  }
0x43: {  	_ =	shalt  }
0x44: {  	_ =	shalt  }
0x45: {  	_ =	shalt  }
0x46: {  	_ =	shalt  }
0x47: {  	_ =	shalt  }
0x48: {  	_ =	shalt  }
0x49: {  	_ =	shalt  }
0x4a: {  	_ =	shalt  }
0x4b: {  	_ =	shalt  }
0x4c: {  	_ =	shalt  }
0x4d: {  	_ =	shalt  }
0x4e: {  	_ =	shalt  }
0x4f: {  	_ =	shalt  }
0x50: {  	_ =	shalt  }
0x51: {  	_ =	shalt  }
0x52: {  	_ =	shalt  }
0x53: {  	_ =	shalt  }
0x54: {  	_ =	shalt  }
0x55: {  	_ =	shalt  }
0x56: {  	_ =	shalt  }
0x57: {  	_ =	shalt  }
0x58: {  	_ =	shalt  }
0x59: {  	_ =	shalt  }
0x5a: {  	_ =	shalt  }
0x5b: {  	_ =	shalt  }
0x5c: {  	_ =	shalt  }
0x5d: {  	_ =	shalt  }
0x5e: {  	_ =	shalt  }
0x5f: {  	_ =	shalt  }
0x60: {  	_ =	shalt  }
0x61: {  	_ =	shalt  }
0x62: {  	_ =	shalt  }
0x63: {  	_ =	shalt  }
0x64: {  	_ =	shalt  }
0x65: {  	_ =	shalt  }
0x66: {  	_ =	shalt  }
0x67: {  	_ =	shalt  }
0x68: {  	_ =	shalt  }
0x69: {  	_ =	shalt  }
0x6a: {  	_ =	shalt  }
0x6b: {  	_ =	shalt  }
0x6c: {  	_ =	shalt  }
0x6d: {  	_ =	shalt  }
0x6e: {  	_ =	shalt  }
0x6f: {  	_ =	shalt  }
0x70: {  	_ =	shalt  }
0x71: {  	_ =	shalt  }
0x72: {  	_ =	shalt  }
0x73: {  	_ =	shalt  }
0x74: {  	_ =	shalt  }
0x75: {  	_ =	shalt  }
0x76: {  	_ =	shalt  }
0x77: {  	_ =	shalt  }
0x78: {  	_ =	shalt  }
0x79: {  	_ =	shalt  }
0x7a: {  	_ =	shalt  }
0x7b: {  	_ =	shalt  }
0x7c: {  	_ =	shalt  }
0x7d: {  	_ =	shalt  }
0x7e: {  	_ =	shalt  }
0x7f: {  	_ =	shalt  }
0x80: {  	_ =	shalt  }
0x81: {  	_ =	shalt  }
0x82: {  	_ =	shalt  }
0x83: {  	_ =	shalt  }
0x84: {  	_ =	shalt  }
0x85: {  	_ =	shalt  }
0x86: {  	_ =	shalt  }
0x87: {  	_ =	shalt  }
.Lfunc_end0:
.L_simem_size_0:
called_computation_lowered:
.L_overlay_start_0:
0x88: {  	s2 =	sld [smem:$0x3FD9]  }
0x89: {  	s3 =	sld [smem:$0x3FFE];
	_ =	sdelay $0x1  }
0x8a: {  	s1 =	srdreg.scid  }
0x8b: {  	s0 =	sand.u32 $0x1, s1  }
0x8c: {  	s17 =	sshll.u32 s0, $0xA;
	s2 =	sadd.s32 s3, s2  }
0x8d: {  	s2 =	sadd.s32 s2, s17  }
0x8e: {  	[smem:$0x3FC6] =	sst s2  }
0x8f: {  	_ = 	snop  }
0x90: {  	s2 =	sld [smem:$0x3FD0];
	(tm) =	ssettm $0x1  }
0x91: {  	s18 =	sld [smem:$0x3FFB];
	_ =	sdelay $0x3  }
0x92: {  	_ =	strace s18  }
0x93: {  	s3 =	sld [smem:$0x3FFC];
	_ =	sdelay $0x3  }
0x94: {  	_ =	strace s3  }
0x95: {  	s3 =	sld [smem:$0x3FFD];
	_ =	sdelay $0x3  }
0x96: {  	_ =	strace s3  }
0x97: {  	_ =	strace $0x8FFFFFFF  }
0x98: {  	s19 =	sld [smem:$0x3FDB];
	_ =	sdelay $0x1  }
0x99: {  	s4 =	simm.s32 $_scs_section_size  }
0x9a: {  	s5 =	simm.s32 $_size__tile_overlayer_lowered;
	s6 =	simm.s32 $_tile_overlayer_lowered  }
0x9b: {  	s22 =	simm.s32 $0x1BFF;
	s21 =	sshll.u32 s6, $0x1;
	s3 =	sadd.s32 s4, s19  }
0x9c: {  	s7 =	simm.s32 $0x0;
	s20 =	sshll.u32 s5, $0x1;
	s5 =	sadd.s32 s21, s3  }
0x9d: {  	[timem:s7], [sflag:s22] =	dma.local [hbm:s5], s20  }
0x9e: {  	_ =	swait.ge [sflag:s22], s20  }
0x9f: {  	s4 =	ssub.s32 $0x0, s20;
	[sflag:s22] =	ssyncset.done $0x0  }
0xa0: {  	[sflag:s22] =	ssyncadd.s32 s4;
	_ =	sdelay $0x1  }
0xa1: {  	s23 =	simm.s32 $0x1B8B  }
0xa2: {  	_ =	swait.ge [sflag:s23], $0x1  }
0xa3: {  	[sflag:s23] =	ssyncset.done $0x0  }
0xa4: {  	s25 =	simm.s32 $0x1B8E;
	s24 =	sld [smem:$0x3FFE];
	[sflag:s23] =	ssyncadd.s32 $0xFFFFFFFF  }
0xa5: {  	s26 =	simm.s32 $execute0_lowered;
	[smem:$0x3FD2] =	sst s25  }
0xa6: {  	s5 =	sshll.u32 s26, $0x1;
	_ =	strace $0x80000046;
	[dreg:$0x1] =	wrdreg $0xFFFFFFFF  }
0xa7: {  	s28 =	simm.s32 $_size_execute0_lowered;
	s3 =	sadd.s32 s3, s5;
	[dreg:$0x0] =	wrdreg $0x0  }
0xa8: {  	s5 =	sshll.u32 s28, $0x1;
	[dreg:$0x2] =	wrdreg s3  }
0xa9: {  	[dreg:$0x3] =	wrdreg s5  }
0xaa: {  	[dreg:$0x4] =	wrdreg $0xC0  }
0xab: {  	_ =	task [dreg:s7], $0x5FFFF  }
0xac: {  	[dreg:$0x1] =	wrdreg $0xFFFFFFFF  }
0xad: {  	[dreg:$0x0] =	wrdreg $0x60  }
0xae: {  	[dreg:$0x2] =	wrdreg s24  }
0xaf: {  	[dreg:$0x3] =	wrdreg s2  }
0xb0: {  	[dreg:$0x4] =	wrdreg $0x9  }
0xb1: {  	_ =	task.clear_ibuf [dreg:s7], $0x5FFFF;
	_ =	strace $0x90000046  }
0xb2: {  	s29 =	simm.s32 $0x9;
	_ =	strace $0x80000048  }
0xb3: {  	_ =	swait.ge [sflag:s29], $0x1  }
0xb4: {  	[sflag:s29] =	ssyncadd.s32 $0xFFFFFFFF  }
0xb5: {  	_ =	strace $0x90000048  }
0xb6: {  	_ =	sfence  }
0xb7: {  	s30 =	sld [smem:$0x0];
	_ =	sdelay $0x2  }
0xb8: {  	s31 =	sshll.u32 s1, $0xD;
	s1 =	sshrl.u32 s1, $0x2  }
0xb9: {  	s3 =	sand.u32 $0x4000, s31;
	s1 =	sadd.s32 s1, s30  }
0xba: {  	s0 =	sor.u32 s3, s0;
	s1 =	sshll.u32 s1, $0x11  }
0xbb: {  	s0 =	sor.u32 s1, s0  }
0xbc: {  	s0 =	sadd.s32 $0x8F2B, s0  }
0xbd: {  	[sflag:s0] =	ssyncadd.remote.s32 $0x1  }
0xbe: {  	_ =	sfence.sel $0xFFFF  }
0xbf: {  	[dreg:$0x0] =	wrdreg $0xFFFFFFFF;
	(pc) =	sbr.abs _section_cstart, $3  }
0xc0: {  	[dreg:$0x1] =	wrdreg $0xFFFFFFFF  }
0xc1: {  	_ =	task.clear_ibuf [dreg:s7], $0x2FFFF;
	_ =	strace $0x9FFFFFFF  }
0xc2: {  	(tm) =	ssettm $0x7FFFFFFF  }
0xc3: {  	_ =	shalt  }
tec
execute0_lowered:
.L_overlay_start_1:
0x0: {  	(tag) =	ssettag $0x1  }
0x1: {  	s0 =	srdreg.scid;
	s1 =	rddreg [dreg:$0x0]  }
0x2: {  	s2 =	stileid.u32;
	s4 =	rddreg [dreg:$0x1]  }
0x3: {  	s6 =	simm.s32 $0x0;
	s9 =	simm.s32 $0x6400;
	s10 =	simm.s32 $0x60  }
0x4: {  	s13 =	simm.s32 $0x9600;
	s15 =	simm.s32 $0xB000;
	s16 =	simm.s32 $0x1  }
0x5: {  	s17 =	simm.s32 $0x40;
	s18 =	simm.s32 $0x80;
	s19 =	simm.s32 $0xC800  }
0x6: {  	s20 =	simm.s32 $0xE200;
	s21 =	simm.s32 $0x2;
	s22 =	simm.s32 $0xFA00  }
0x7: {  	s28 =	simm.s32 $0x6;
	s29 =	simm.s32 $0x7;
	s30 =	simm.s32 $0x8  }
0x8: {  	s31 =	simm.s32 $0x0;
	s0 =	sand.u32 $0x1, s0;
	s3 =	sshll.u32 s2, $0x8  }
0x9: {  	[smem:$0x7FF] =	sst s6;
	s24 =	smul.u32 $0xC8000, s2;
	s5 =	sshll.u32 s0, $0x7  }
0xa: {  	s23 =	ssub.s32 $0x2, s0;
	s0 =	smul.u32 $0x64000, s0;
	s3 =	sor.u32 s5, s3  }
0xb: {  	_ =	strace $0x80000047;
	s8 =	sshrl.u32 s23, $0x1;
	s3 =	smul.u32 $0x19, s3  }
.Ltmp0:
0xc: {  	s6 =	sadd.s32 s24, s4;
	s24 =	simm.s32 $0x3;
	(pc) =	sbr.rel .LBB2_1-.Ltmp0, $4  }
0xd: {  	s25 =	ssub.s32 s23, s8;
	s8 =	simm.s32 $0x68;
	s23 =	simm.s32 $0x11400  }
0xe: {  	s5 =	smax.u32 s25, $0x1;
	s25 =	simm.s32 $0x5;
	s7 =	sadd.s32 s3, s1  }
0xf: {  	s3 =	sadd.s32 $0xF42C00, s1;
	s1 =	sadd.s32 s0, s6;
	s26 =	sadd.s32 $0x600, s7  }
0x10: {  	s7 =	simm.s32 $0x9;
	[dreg:$0x3] =	wrdreg s26;
	s26 =	simm.s32 $0x4  }
.LBB2_4:
0x11: {  	s31 =	sadd.s32 $0x1, s31  }
0x12: {  	_ =	swait.ge [sflag:s29], $0x3200;
	p0 =	sne.s32 s31, s5  }
.Ltmp1:
0x13: {  	[sflag:s29] =	ssyncset.done $0x0;
	(pc) =	sbr.rel @!p0 .LBB2_5-.Ltmp1, $4  }
0x14: {  	[sflag:s29] =	ssyncadd.s32 $0xFFFFCE00  }
0x15: {  	_ =	swait.ge [sflag:s30], $0x3200  }
0x16: {  	[sflag:s30] =	ssyncset.done $0x0  }
0x17: {  	[sflag:s30] =	ssyncadd.s32 $0xFFFFCE00  }
.LBB2_1:
0x18: {  	s0 =	simm.s32 $0x0;
	s2 =	rddreg [dreg:$0x3]  }
0x19: {  	[tilespmem:s0], [sflag:$0x9] =	stream.linear.gather [hbm4b:s2+s0], $0x6400, $0x38;
	[tilespmem:$0x12C00] =	vst v63  }
0x1a: {  	_ =	swait.ge [sflag:s7], $0x6400  }
0x1b: {  	[sflag:s7] =	ssyncset.done $0x0  }
0x1c: {  	[sflag:s7] =	ssyncadd.s32 $0xFFFF9C00  }
0x1d: {  	[tilespmem:s9], [sflag:$0x1] =	stream.indirect.gather [hbm4b:s3+s8], $0x40, s0, s8, $0xb8;
	[tilespmem:$0x12C00] =	vst v63  }
0x1e: {  	s11 =	simm.s32 $0x7E00  }
0x1f: {  	[tilespmem:s11], [sflag:$0x1] =	stream.indirect.gather [hbm4b:s3+s10], $0x40, s8, s10, $0xb8;
	[tilespmem:$0x12C00] =	vst v63  }
0x20: {  	s12 =	simm.s32 $0xC8  }
0x21: {  	[tilespmem:s13], [sflag:$0x2] =	stream.indirect.gather [hbm4b:s3+s8], $0x40, s12, s8, $0xb8;
	[tilespmem:$0x12C00] =	vst v63  }
0x22: {  	s14 =	simm.s32 $0x130;
	s6 =	smov.u32 s1;
	s0 =	simm.s32 $0x0  }
0x23: {  	[tilespmem:s15], [sflag:$0x2] =	stream.indirect.gather [hbm4b:s3+s10], $0x40, s14, s10, $0xb8;
	[tilespmem:$0x12C00] =	vst v63  }
.LBB2_2:
0x24: {  	_ =	swait.ge [sflag:s16], $0x1A00  }
0x25: {  	[sflag:s16] =	ssyncset.done $0x0  }
0x26: {  	[sflag:s16] =	ssyncadd.s32 $0xFFFFE600  }
0x27: {  	_ =	swait.ge [sflag:s16], $0x1800  }
0x28: {  	p0 =	seq.s32 s0, $0x0;
	[sflag:s16] =	ssyncset.done $0x0  }
0x29: {  	s12 =	simm.s32 @!p0 $0x7;
	[sflag:s16] =	ssyncadd.s32 $0xFFFFE800  }
0x2a: {  	[hbm4b:s6+s17] =	stream.strided.scatter [tilespmem:s9], [sflag:$0x5], $0x3200, s18, s17, $0x38;
	[tilespmem:$0x12C00] =	vst v63  }
0x2b: {  	_ =	swait.ge @!p0 [sflag:s12], $0x3200  }
0x2c: {  	s11 =	sshra.s32 s0, $0x2;
	[sflag:s12] =	ssyncset.done @!p0 $0x0  }
0x2d: {  	s14 =	sadd.s32 $0x190, s11;
	[sflag:s12] =	ssyncadd.s32 @!p0 $0xFFFFCE00  }
0x2e: {  	[tilespmem:s19], [sflag:$0x3] =	stream.indirect.gather [hbm4b:s3+s8], $0x40, s14, s8, $0xb8;
	[tilespmem:$0x12C00] =	vst v63  }
0x2f: {  	s2 =	sadd.s32 $0x1F8, s11  }
0x30: {  	[tilespmem:s20], [sflag:$0x3] =	stream.indirect.gather [hbm4b:s3+s10], $0x40, s2, s10, $0xb8;
	[tilespmem:$0x12C00] =	vst v63  }
0x31: {  	_ =	swait.ge [sflag:s21], $0x1A00  }
0x32: {  	[sflag:s21] =	ssyncset.done $0x0  }
0x33: {  	[sflag:s21] =	ssyncadd.s32 $0xFFFFE600  }
0x34: {  	_ =	swait.ge [sflag:s21], $0x1800  }
0x35: {  	[sflag:s21] =	ssyncset.done $0x0  }
0x36: {  	s4 =	sadd.s32 $0xC80, s6;
	s12 =	simm.s32 @!p0 $0x8;
	[sflag:s21] =	ssyncadd.s32 $0xFFFFE800  }
0x37: {  	[hbm4b:s4+s17] =	stream.strided.scatter [tilespmem:s13], [sflag:$0x6], $0x3200, s18, s17, $0x38;
	[tilespmem:$0x12C00] =	vst v63  }
0x38: {  	_ =	swait.ge @!p0 [sflag:s12], $0x3200  }
0x39: {  	[sflag:s12] =	ssyncset.done @!p0 $0x0  }
0x3a: {  	s14 =	sadd.s32 $0x258, s11;
	[sflag:s12] =	ssyncadd.s32 @!p0 $0xFFFFCE00  }
0x3b: {  	[tilespmem:s22], [sflag:$0x4] =	stream.indirect.gather [hbm4b:s3+s8], $0x40, s14, s8, $0xb8;
	[tilespmem:$0x12C00] =	vst v63  }
0x3c: {  	s2 =	sadd.s32 $0x2C0, s11  }
0x3d: {  	[tilespmem:s23], [sflag:$0x4] =	stream.indirect.gather [hbm4b:s3+s10], $0x40, s2, s10, $0xb8;
	[tilespmem:$0x12C00] =	vst v63  }
0x3e: {  	_ =	swait.ge [sflag:s24], $0x1A00  }
0x3f: {  	[sflag:s24] =	ssyncset.done $0x0  }
0x40: {  	[sflag:s24] =	ssyncadd.s32 $0xFFFFE600  }
0x41: {  	_ =	swait.ge [sflag:s24], $0x1800  }
0x42: {  	[sflag:s24] =	ssyncset.done $0x0  }
0x43: {  	s4 =	sadd.s32 $0x1900, s6;
	p0 =	seq.s32 s0, $0x18380;
	[sflag:s24] =	ssyncadd.s32 $0xFFFFE800  }
0x44: {  	[hbm4b:s4+s17] =	stream.strided.scatter [tilespmem:s19], [sflag:$0x7], $0x3200, s18, s17, $0x38;
	[tilespmem:$0x12C00] =	vst v63  }
0x45: {  	s12 =	sshra.s32 @!p0 s0, $0x2;
	_ =	swait.ge [sflag:s25], $0x3200  }
0x46: {  	s14 =	sadd.s32 @!p0 $0x320, s12;
	[sflag:s25] =	ssyncset.done $0x0  }
0x47: {  	s2 =	simm.s32 @!p0 $0x68;
	s4 =	simm.s32 @!p0 $0x6400;
	[sflag:s25] =	ssyncadd.s32 $0xFFFFCE00  }
0x48: {  	[tilespmem:s4], [sflag:$0x1] =	stream.indirect.gather @!p0 [hbm4b:s3+s2], $0x40, s14, s2, $0xb8;
	[tilespmem:$0x12C00] =	vst v63  }
0x49: {  	s2 =	sadd.s32 @!p0 $0x388, s12;
	s4 =	simm.s32 @!p0 $0x60;
	s12 =	simm.s32 @!p0 $0x7E00  }
0x4a: {  	[tilespmem:s12], [sflag:$0x1] =	stream.indirect.gather @!p0 [hbm4b:s3+s4], $0x40, s2, s4, $0xb8;
	[tilespmem:$0x12C00] =	vst v63  }
0x4b: {  	_ =	swait.ge [sflag:s26], $0x1A00  }
0x4c: {  	[sflag:s26] =	ssyncset.done $0x0  }
0x4d: {  	[sflag:s26] =	ssyncadd.s32 $0xFFFFE600  }
0x4e: {  	_ =	swait.ge [sflag:s26], $0x1800  }
0x4f: {  	[sflag:s26] =	ssyncset.done $0x0  }
.Ltmp2:
0x50: {  	s14 =	sadd.s32 $0x2580, s6;
	[sflag:s26] =	ssyncadd.s32 $0xFFFFE800;
	(pc) =	sbr.rel @p0 .LBB2_4-.Ltmp2, $4  }
0x51: {  	[hbm4b:s14+s17] =	stream.strided.scatter [tilespmem:s22], [sflag:$0x8], $0x3200, s18, s17, $0x38;
	[tilespmem:$0x12C00] =	vst v63  }
0x52: {  	_ =	swait.ge [sflag:s28], $0x3200  }
0x53: {  	[sflag:s28] =	ssyncset.done $0x0  }
0x54: {  	[sflag:s28] =	ssyncadd.s32 $0xFFFFCE00  }
.Ltmp3:
0x55: {  	(pc) =	sbr.rel .LBB2_2-.Ltmp3, $4  }
0x56: {  	s2 =	sadd.s32 $0x3E8, s11  }
0x57: {  	[tilespmem:s13], [sflag:$0x2] =	stream.indirect.gather [hbm4b:s3+s8], $0x40, s2, s8, $0xb8;
	[tilespmem:$0x12C00] =	vst v63  }
0x58: {  	s14 =	sadd.s32 $0x450, s11;
	s0 =	sadd.s32 $0xC80, s0;
	s6 =	sadd.s32 $0x3200, s6  }
0x59: {  	[tilespmem:s15], [sflag:$0x2] =	stream.indirect.gather [hbm4b:s3+s10], $0x40, s14, s10, $0xb8;
	[tilespmem:$0x12C00] =	vst v63  }
.LBB2_5:
0x5a: {  	_ =	sfence.sel $0x180000  }
0x5b: {  	[bflag:$0x0] =	sbarrier.arrive $0xFFFF  }
0x5c: {  	_ =	strace $0x90000047  }
0x5d: {  	s0 =	stileid.u32;
	[bflag:$0x2] =	sbarrier.arrive $0xFFFF  }
0x5e: {  	p0 =	sne.s32 s0, $0x0;
	s0 =	rddreg [dreg:$0x2]  }
0x5f: {  	s0 =	sadd.s32 @!p0 $0x100000, s0  }
0x60: {  	[sflag:s0] =	ssyncadd.tile.s32 @!p0 $0x1;
	_ =	shalt  }
.Lfunc_end2:
_tile_overlayer_lowered:
.L_overlay_start_2:
0x61: {  	(tag) =	ssettag $0x2  }
0x62: {  	s0 =	rddreg [dreg:$0x0];
	s2 =	stileid.u32  }
0x63: {  	s1 =	rddreg [dreg:$0x1];
	p0 =	sne.s32 s2, $0x0  }
0x64: {  	s3 =	rddreg [dreg:$0x2];
	[bflag:$0x3] =	sbarrier.arrive $0xFFFF;
	s2 =	simm.s32 @!p0 $0x1C09  }
0x65: {  	[timem:s3], [sflag:s2] =	dma.local @!p0 [hbm:s0], s1  }
0x66: {  	s0 =	simm.s32 @!p0 $0x9  }
0x67: {  	_ =	swait.ge @!p0 [sflag:s0], s1  }
0x68: {  	s1 =	ssub.s32 @!p0 $0x0, s1;
	[sflag:s0] =	ssyncset.done @!p0 $0x0  }
0x69: {  	[sflag:s0] =	ssyncadd.s32 @!p0 s1  }
0x6a: {  	[bflag:$0x3] =	sbarrier.arrive $0xFFFF  }
0x6b: {  	_ =	shalt  }

</sc_bundles>
